<compile_context>
chip_gen: v7x
topology: tpu7x:2x2x1
jax: 0.10.2.dev20260603
libtpu: 0.0.44.dev20260713+nightly
codegen_flags: <defaults>
</compile_context>

<pallas_src>
import functools

import jax
import jax.numpy as jnp
from jax import lax
from jax.experimental import pallas as pl
from jax.experimental.pallas import tpu as pltpu
from jax.experimental.pallas import tpu_sc as plsc

N_NODES = 10000
N_EDGES = 320000
N_OUT = 128
HIDDEN = 384

NC = 2
NS = 16
CHUNK = 128
UNIT = NC * NS * 8 * CHUNK
UNITS = (1, 3, 3, 3)
E_PAD = UNIT * sum(UNITS)
N_ACC = 10112
ROWS_PER_TILE = N_ACC // NS
BE = 4096
BLOCKS_PER_UNIT = UNIT // BE
DUMMY = N_NODES


def _mlp_body(vt_ref, w1_ref, b1_ref, w2_ref, b2_ref, o_ref):
    h = lax.dot_general(vt_ref[...], w1_ref[...],
                        (((0,), (0,)), ((), ())),
                        preferred_element_type=jnp.float32)
    h = jnp.maximum(h + b1_ref[...], 0.0)
    o_ref[...] = (
        jnp.dot(h, w2_ref[...], preferred_element_type=jnp.float32)
        + b2_ref[...]
    )


def _mlp(vt, W1, b1, W2, b2, block0, nblocks):
    last = N_EDGES // BE
    return pl.pallas_call(
        _mlp_body,
        grid=(nblocks,),
        in_specs=[
            pl.BlockSpec((2, BE),
                         lambda i: (0, jnp.minimum(block0 + i, last))),
            pl.BlockSpec((2, HIDDEN), lambda i: (0, 0)),
            pl.BlockSpec((1, HIDDEN), lambda i: (0, 0)),
            pl.BlockSpec((HIDDEN, N_OUT), lambda i: (0, 0)),
            pl.BlockSpec((1, N_OUT), lambda i: (0, 0)),
        ],
        out_specs=pl.BlockSpec((BE, N_OUT), lambda i: (i, 0)),
        out_shape=jax.ShapeDtypeStruct((nblocks * BE, N_OUT), jnp.float32),
    )(vt, W1, b1, W2, b2)


def _scatter_body(cbase, cpw, chained, s_hbm, col_hbm, init_hbm, out_hbm,
                  idx_v, rows0, rows1, acc, sem0, sem1):
    cid = lax.axis_index("c")
    sid = lax.axis_index("s")
    wid = cid * NS + sid

    r0 = sid * ROWS_PER_TILE
    if chained:
        pltpu.sync_copy(init_hbm.at[cid, pl.ds(r0, ROWS_PER_TILE)],
                        acc.at[pl.ds(r0, ROWS_PER_TILE)])
    else:
        pltpu.sync_copy(init_hbm.at[pl.ds(r0, ROWS_PER_TILE)],
                        acc.at[pl.ds(r0, ROWS_PER_TILE)])

    pltpu.sync_copy(col_hbm.at[1, pl.ds(cbase + wid * cpw, cpw)], idx_v)
    plsc.subcore_barrier()

    base = wid * (cpw * CHUNK)

    def src(j):
        return s_hbm.at[pl.ds(base + (j % cpw) * CHUNK, CHUNK)]

    pltpu.async_copy(src(0), rows0, sem0)
    pltpu.async_copy(src(1), rows1, sem1)

    def step(i, carry):
        j0 = i * 2
        pltpu.make_async_copy(src(j0), rows0, sem0).wait()
        pltpu.sync_copy(rows0, acc.at[idx_v.at[j0]], add=True)
        pltpu.async_copy(src(j0 + 2), rows0, sem0)
        pltpu.make_async_copy(src(j0 + 1), rows1, sem1).wait()
        pltpu.sync_copy(rows1, acc.at[idx_v.at[j0 + 1]], add=True)
        pltpu.async_copy(src(j0 + 3), rows1, sem1)
        return carry

    lax.fori_loop(0, cpw // 2, step, 0)
    pltpu.make_async_copy(src(0), rows0, sem0).wait()
    pltpu.make_async_copy(src(1), rows1, sem1).wait()
    plsc.subcore_barrier()

    pltpu.sync_copy(acc.at[pl.ds(r0, ROWS_PER_TILE)],
                    out_hbm.at[cid, pl.ds(r0, ROWS_PER_TILE)])


def _scatter(s, col_pad, init, chunk_base, cpw, chained):
    mesh = plsc.VectorSubcoreMesh(core_axis_name="c", subcore_axis_name="s")
    f = pl.kernel(
        functools.partial(_scatter_body, chunk_base, cpw, chained),
        out_type=jax.ShapeDtypeStruct((NC, N_ACC, N_OUT), jnp.float32),
        mesh=mesh,
        scratch_types=[
            pltpu.VMEM((cpw, CHUNK), jnp.int32),
            pltpu.VMEM((CHUNK, N_OUT), jnp.float32),
            pltpu.VMEM((CHUNK, N_OUT), jnp.float32),
            pltpu.VMEM_SHARED((N_ACC, N_OUT), jnp.float32),
            pltpu.SemaphoreType.DMA,
            pltpu.SemaphoreType.DMA,
        ],
    )
    return f(s, col_pad, init)


def _combine_body(*refs):
    o_ref = refs[-1]
    acc = refs[0][0]
    for r in refs[1:-1]:
        acc = acc + r[0]
    o_ref[...] = acc


def _combine(partials):
    blk = 2000
    spec0 = pl.BlockSpec((1, blk, N_OUT), lambda i: (0, i, 0))
    spec1 = pl.BlockSpec((1, blk, N_OUT), lambda i: (1, i, 0))
    args = []
    specs = []
    for p in partials:
        args += [p, p]
        specs += [spec0, spec1]
    return pl.pallas_call(
        _combine_body,
        grid=(N_NODES // blk,),
        in_specs=specs,
        out_specs=pl.BlockSpec((blk, N_OUT), lambda i: (i, 0)),
        out_shape=jax.ShapeDtypeStruct((N_NODES, N_OUT), jnp.float32),
    )(*args)


def kernel(v, edge_index, W1, b1, W2, b2):
    vt = v.T
    b1r = b1.reshape(1, -1)
    b2r = b2.reshape(1, -1)
    zeros = jnp.zeros((N_ACC, N_OUT), jnp.float32)
    col_pad = jnp.pad(
        edge_index.astype(jnp.int32), ((0, 0), (0, E_PAD - N_EDGES)),
        constant_values=DUMMY,
    ).reshape(2, E_PAD // CHUNK, CHUNK)

    part = zeros
    unit0 = 0
    for i, u in enumerate(UNITS):
        s = _mlp(vt, W1, b1r, W2, b2r,
                 unit0 * BLOCKS_PER_UNIT, u * BLOCKS_PER_UNIT)
        part = _scatter(s, col_pad, part,
                        chunk_base=unit0 * UNIT // CHUNK,
                        cpw=u * UNIT // (CHUNK * NC * NS),
                        chained=i > 0)
        unit0 += u
    return _combine([part])

# --- scband reference (transcript-rebuilt; emitter-appended) ---
"""Pipeline reference for scband-edge-embedding-tetris-inv-88656714925212 (READ-ONLY COPY).

The authoritative reference and input builder live on the scoring server;
editing this copy changes nothing except your own understanding.
"""

import jax, jax.numpy as jnp
import numpy as np

N_NODES = 10000
N_EDGES = 320000
N_SCALARS = 128
IN_DIM = 2
HIDDEN = N_SCALARS * 3


def setup_inputs(seed: int = 0) -> dict:
    key = jax.random.key(seed)
    k_v, k_e, k_w1, k_b1, k_w2, k_b2 = jax.random.split(key, 6)
    v = jax.random.normal(k_v, (N_EDGES, IN_DIM), dtype=jnp.float32)
    edge_index = jax.random.randint(k_e, (2, N_EDGES), 0, N_NODES, dtype=jnp.int64)
    # guarantee max node id is N_NODES-1 so output shape is deterministic
    edge_index = edge_index.at[0, 0].set(N_NODES - 1).at[1, 0].set(N_NODES - 1)
    # MLP params: Linear(2 -> 384), ReLU, Linear(384 -> 128) with PyTorch-style init
    lim1 = 1.0 / np.sqrt(IN_DIM)
    W1 = jax.random.uniform(k_w1, (IN_DIM, HIDDEN), minval=-lim1, maxval=lim1, dtype=jnp.float32)
    b1 = jax.random.uniform(k_b1, (HIDDEN,), minval=-lim1, maxval=lim1, dtype=jnp.float32)
    lim2 = 1.0 / np.sqrt(HIDDEN)
    W2 = jax.random.uniform(k_w2, (HIDDEN, N_SCALARS), minval=-lim2, maxval=lim2, dtype=jnp.float32)
    b2 = jax.random.uniform(k_b2, (N_SCALARS,), minval=-lim2, maxval=lim2, dtype=jnp.float32)
    return {"v": v, "edge_index": edge_index, "W1": W1, "b1": b1, "W2": W2, "b2": b2}


def reference(v, edge_index, W1, b1, W2, b2):
    row, col = edge_index[0], edge_index[1]
    # scalar_layer: MLP(2 -> 384 -> 128) with ReLU on hidden layer
    h = jax.nn.relu(v @ W1 + b1)
    scalar_features = h @ W2 + b2
    # scatter(..., col, dim=0, dim_size=edge_index.max()+1) -> scatter-add (sum reduce)
    # setup_inputs pins edge_index[:, 0] to N_NODES - 1, so max()+1 == N_NODES always
    dim_size = N_NODES
    out = jax.ops.segment_sum(scalar_features, col, num_segments=dim_size)
    return out

if __name__ == "__main__":
    import jax
    _d = setup_inputs()
    print(jax.jit(kernel)(*tuple(_d.values())))

</pallas_src>

<mosaic_0001>
#map = affine_map<(d0, d1) -> (0, 0)>
#map1 = affine_map<(d0, d1) -> (0, 0, 0)>
module attributes {stable_mosaic.version = 14 : i64} {
  func.func @_scatter_body(%arg0: i32, %arg1: i32, %arg2: memref<98304x128xf32, #tpu.memory_space<hbm>>, %arg3: memref<2x2560x128xi32, #tpu.memory_space<hbm>>, %arg4: memref<2x10112x128xf32, #tpu.memory_space<hbm>>, %arg5: memref<2x10112x128xf32, #tpu.memory_space<hbm>>, %arg6: memref<24x128xi32, #tpu.memory_space<vmem>>, %arg7: memref<128x128xf32, #tpu.memory_space<vmem>>, %arg8: memref<128x128xf32, #tpu.memory_space<vmem>>, %arg9: memref<10112x128xf32, #tpu.memory_space<vmem_shared>>, %arg10: memref<!tpu.dma_semaphore, #tpu.memory_space<semaphore_mem>>, %arg11: memref<!tpu.dma_semaphore, #tpu.memory_space<semaphore_mem>>) attributes {dimension_semantics = [#tpu.dimension_semantics<core_parallel>, #tpu.dimension_semantics<subcore_parallel>], iteration_bounds = array<i64: 2, 16>, scalar_prefetch = 0 : i64, scratch_operands = 6 : i64, tpu.core_type = #tpu.core_type<sc_vector_subcore>, window_params = [{transform_indices = #map}, {transform_indices = #map1}, {transform_indices = #map1}, {transform_indices = #map1}]} {
    %mul3A = arith.constant 16 : i32
    %mul3A_0 = arith.muli %arg0, %mul3A : i32
    %add3A = arith.addi %mul3A_0, %arg1 : i32
    %mul3A_1 = arith.constant 632 : i32
    %mul3A_2 = arith.muli %arg1, %mul3A_1 : i32
    "tpu.region"() ({
      %run_scoped3A_37 = tpu.sem_alloc : memref<!tpu.dma_semaphore, #tpu.memory_space<semaphore_mem>>
      %dma_start3A_38 = arith.constant 0 : i32
      %dma_start3A_39 = tpu.memref_slice %arg9[%mul3A_2, %dma_start3A_38] : memref<10112x128xf32, #tpu.memory_space<vmem_shared>> -> memref<632x128xf32, #tpu.memory_space<vmem_shared>>
      %dma_start3A_40 = arith.constant 0 : i32
      %dma_start3A_41 = tpu.memref_slice %arg4[%arg0, %mul3A_2, %dma_start3A_40] : memref<2x10112x128xf32, #tpu.memory_space<hbm>> -> memref<1x632x128xf32, #tpu.memory_space<hbm>>
      %dma_start3A_42 = tpu.memref_squeeze %dma_start3A_41 : memref<1x632x128xf32, #tpu.memory_space<hbm>> -> memref<632x128xf32, #tpu.memory_space<hbm>>
      tpu.enqueue_dma source(%dma_start3A_42 : memref<632x128xf32, #tpu.memory_space<hbm>>) target(%dma_start3A_39 : memref<632x128xf32, #tpu.memory_space<vmem_shared>>) target_semaphore(%run_scoped3A_37 : memref<!tpu.dma_semaphore, #tpu.memory_space<semaphore_mem>>)
      %dma_wait3A_43 = arith.constant 0 : i32
      %dma_wait3A_44 = tpu.memref_slice %arg9[%mul3A_2, %dma_wait3A_43] : memref<10112x128xf32, #tpu.memory_space<vmem_shared>> -> memref<632x128xf32, #tpu.memory_space<vmem_shared>>
      %dma_wait3A_45 = arith.constant 0 : i32
      %dma_wait3A_46 = tpu.memref_slice %arg4[%arg0, %mul3A_2, %dma_wait3A_45] : memref<2x10112x128xf32, #tpu.memory_space<hbm>> -> memref<1x632x128xf32, #tpu.memory_space<hbm>>
      %dma_wait3A_47 = tpu.memref_squeeze %dma_wait3A_46 : memref<1x632x128xf32, #tpu.memory_space<hbm>> -> memref<632x128xf32, #tpu.memory_space<hbm>>
      tpu.wait_dma2 semaphore(%run_scoped3A_37 : memref<!tpu.dma_semaphore, #tpu.memory_space<semaphore_mem>>) src(%dma_wait3A_47 : memref<632x128xf32, #tpu.memory_space<hbm>>) dst(%dma_wait3A_44 : memref<632x128xf32, #tpu.memory_space<vmem_shared>>)
      tpu.yield
    }) : () -> ()
    %mul3A_3 = arith.constant 24 : i32
    %mul3A_4 = arith.muli %add3A, %mul3A_3 : i32
    %add3A_5 = arith.constant 1024 : i32
    %add3A_6 = arith.addi %add3A_5, %mul3A_4 : i32
    %run_scoped3A = arith.constant 1 : i32
    "tpu.region"() ({
      %run_scoped3A_37 = tpu.sem_alloc : memref<!tpu.dma_semaphore, #tpu.memory_space<semaphore_mem>>
      %dma_start3A_38 = arith.constant 0 : i32
      %dma_start3A_39 = tpu.memref_slice %arg3[%run_scoped3A, %add3A_6, %dma_start3A_38] : memref<2x2560x128xi32, #tpu.memory_space<hbm>> -> memref<1x24x128xi32, #tpu.memory_space<hbm>>
      %dma_start3A_40 = tpu.memref_squeeze %dma_start3A_39 : memref<1x24x128xi32, #tpu.memory_space<hbm>> -> memref<24x128xi32, #tpu.memory_space<hbm>>
      %dma_start3A_41 = arith.constant 0 : i32
      %dma_start3A_42 = tpu.memref_slice %arg3[%run_scoped3A, %add3A_6, %dma_start3A_41] : memref<2x2560x128xi32, #tpu.memory_space<hbm>> -> memref<1x24x128xi32, #tpu.memory_space<hbm>>
      %dma_start3A_43 = tpu.memref_squeeze %dma_start3A_42 : memref<1x24x128xi32, #tpu.memory_space<hbm>> -> memref<24x128xi32, #tpu.memory_space<hbm>>
      tpu.enqueue_dma source(%dma_start3A_43 : memref<24x128xi32, #tpu.memory_space<hbm>>) target(%arg6 : memref<24x128xi32, #tpu.memory_space<vmem>>) target_semaphore(%run_scoped3A_37 : memref<!tpu.dma_semaphore, #tpu.memory_space<semaphore_mem>>)
      %dma_wait3A_44 = arith.constant 0 : i32
      %dma_wait3A_45 = tpu.memref_slice %arg3[%run_scoped3A, %add3A_6, %dma_wait3A_44] : memref<2x2560x128xi32, #tpu.memory_space<hbm>> -> memref<1x24x128xi32, #tpu.memory_space<hbm>>
      %dma_wait3A_46 = tpu.memref_squeeze %dma_wait3A_45 : memref<1x24x128xi32, #tpu.memory_space<hbm>> -> memref<24x128xi32, #tpu.memory_space<hbm>>
      %dma_wait3A_47 = arith.constant 0 : i32
      %dma_wait3A_48 = tpu.memref_slice %arg3[%run_scoped3A, %add3A_6, %dma_wait3A_47] : memref<2x2560x128xi32, #tpu.memory_space<hbm>> -> memref<1x24x128xi32, #tpu.memory_space<hbm>>
      %dma_wait3A_49 = tpu.memref_squeeze %dma_wait3A_48 : memref<1x24x128xi32, #tpu.memory_space<hbm>> -> memref<24x128xi32, #tpu.memory_space<hbm>>
      tpu.wait_dma2 semaphore(%run_scoped3A_37 : memref<!tpu.dma_semaphore, #tpu.memory_space<semaphore_mem>>) src(%dma_wait3A_49 : memref<24x128xi32, #tpu.memory_space<hbm>>) dst(%arg6 : memref<24x128xi32, #tpu.memory_space<vmem>>)
      tpu.yield
    }) : () -> ()
    %barrier3A = arith.constant 0 : index
    tpu.barrier barrier_id(%barrier3A)
    %mul3A_7 = arith.constant 3072 : i32
    %mul3A_8 = arith.muli %add3A, %mul3A_7 : i32
    %add3A_9 = arith.constant 0 : i32
    %add3A_10 = arith.addi %mul3A_8, %add3A_9 : i32
    %dma_start3A = arith.constant 0 : i32
    %dma_start3A_11 = tpu.memref_slice %arg2[%add3A_10, %dma_start3A] : memref<98304x128xf32, #tpu.memory_space<hbm>> -> memref<128x128xf32, #tpu.memory_space<hbm>>
    %dma_start3A_12 = arith.constant 0 : i32
    %dma_start3A_13 = tpu.memref_slice %arg2[%add3A_10, %dma_start3A_12] : memref<98304x128xf32, #tpu.memory_space<hbm>> -> memref<128x128xf32, #tpu.memory_space<hbm>>
    tpu.enqueue_dma source(%dma_start3A_13 : memref<128x128xf32, #tpu.memory_space<hbm>>) target(%arg7 : memref<128x128xf32, #tpu.memory_space<vmem>>) target_semaphore(%arg10 : memref<!tpu.dma_semaphore, #tpu.memory_space<semaphore_mem>>)
    %add3A_14 = arith.constant 128 : i32
    %add3A_15 = arith.addi %mul3A_8, %add3A_14 : i32
    %dma_start3A_16 = arith.constant 0 : i32
    %dma_start3A_17 = tpu.memref_slice %arg2[%add3A_15, %dma_start3A_16] : memref<98304x128xf32, #tpu.memory_space<hbm>> -> memref<128x128xf32, #tpu.memory_space<hbm>>
    %dma_start3A_18 = arith.constant 0 : i32
    %dma_start3A_19 = tpu.memref_slice %arg2[%add3A_15, %dma_start3A_18] : memref<98304x128xf32, #tpu.memory_space<hbm>> -> memref<128x128xf32, #tpu.memory_space<hbm>>
    tpu.enqueue_dma source(%dma_start3A_19 : memref<128x128xf32, #tpu.memory_space<hbm>>) target(%arg8 : memref<128x128xf32, #tpu.memory_space<vmem>>) target_semaphore(%arg11 : memref<!tpu.dma_semaphore, #tpu.memory_space<semaphore_mem>>)
    %scan3A = arith.constant 0 : i32
    %scan3A_20 = arith.constant 0 : i32
    %scan3A_21 = arith.constant 12 : i32
    %scan3A_22 = arith.addi %scan3A_20, %scan3A_21 : i32
    %scan3A_23 = arith.constant 1 : i32
    scf.for %scan3A_37 = %scan3A_20 to %scan3A_22 step %scan3A_23  : i32 {
      %mul3A_38 = arith.constant 2 : i32
      %mul3A_39 = arith.muli %scan3A_37, %mul3A_38 : i32
      %jit3A = arith.constant 24 : i32
      %eq3A = arith.constant 0 : i32
      %eq3A_40 = arith.cmpi eq, %jit3A, %eq3A : i32
      %jit3A_41 = arith.constant 1 : i32
      %select_n3A = arith.select %eq3A_40, %jit3A_41, %jit3A : i32
      %rem3A = arith.remsi %mul3A_39, %select_n3A : i32
      %ne3A = arith.constant 0 : i32
      %ne3A_42 = arith.cmpi ne, %rem3A, %ne3A : i32
      %lt3A = arith.constant 0 : i32
      %lt3A_43 = arith.cmpi slt, %rem3A, %lt3A : i32
      %lt3A_44 = arith.constant 0 : i32
      %lt3A_45 = arith.cmpi slt, %select_n3A, %lt3A_44 : i32
      %ne3A_46 = arith.xori %lt3A_43, %lt3A_45 : i1
      %and3A = arith.andi %ne3A_46, %ne3A_42 : i1
      %add3A_47 = arith.addi %rem3A, %select_n3A : i32
      %select_n3A_48 = arith.select %and3A, %add3A_47, %rem3A : i32
      %mul3A_49 = arith.constant 128 : i32
      %mul3A_50 = arith.muli %select_n3A_48, %mul3A_49 : i32
      %add3A_51 = arith.addi %mul3A_8, %mul3A_50 : i32
      %dma_wait3A_52 = arith.constant 0 : i32
      %dma_wait3A_53 = tpu.memref_slice %arg2[%add3A_51, %dma_wait3A_52] : memref<98304x128xf32, #tpu.memory_space<hbm>> -> memref<128x128xf32, #tpu.memory_space<hbm>>
      %dma_wait3A_54 = arith.constant 0 : i32
      %dma_wait3A_55 = tpu.memref_slice %arg2[%add3A_51, %dma_wait3A_54] : memref<98304x128xf32, #tpu.memory_space<hbm>> -> memref<128x128xf32, #tpu.memory_space<hbm>>
      tpu.wait_dma2 semaphore(%arg10 : memref<!tpu.dma_semaphore, #tpu.memory_space<semaphore_mem>>) src(%dma_wait3A_55 : memref<128x128xf32, #tpu.memory_space<hbm>>) dst(%arg7 : memref<128x128xf32, #tpu.memory_space<vmem>>)
      "tpu.region"() ({
        %run_scoped3A_133 = tpu.sem_alloc : memref<!tpu.dma_semaphore, #tpu.memory_space<semaphore_mem>>
        %dma_start3A_134 = arith.constant 0 : i32
        %dma_start3A_135 = tpu.memref_slice %arg6[%mul3A_39, %dma_start3A_134] : memref<24x128xi32, #tpu.memory_space<vmem>> -> memref<1x128xi32, #tpu.memory_space<vmem>>
        %dma_start3A_136 = tpu.memref_squeeze %dma_start3A_135 : memref<1x128xi32, #tpu.memory_space<vmem>> -> memref<128xi32, #tpu.memory_space<vmem>>
        %dma_start3A_137 = arith.constant 0 : i32
        %dma_start3A_138 = arith.constant 0 : i32
        %dma_start3A_139 = tpu.memref_slice %arg9[%dma_start3A_137, %dma_start3A_138] : memref<10112x128xf32, #tpu.memory_space<vmem_shared>> -> memref<10112x128xf32, #tpu.memory_space<vmem_shared>>
        tpu.enqueue_indirect_dma source(%arg7 : memref<128x128xf32, #tpu.memory_space<vmem>>) target(%dma_start3A_139 : memref<10112x128xf32, #tpu.memory_space<vmem_shared>>) offsets(%dma_start3A_136 : memref<128xi32, #tpu.memory_space<vmem>>) semaphore(%run_scoped3A_133 : memref<!tpu.dma_semaphore, #tpu.memory_space<semaphore_mem>>) {add = true}
        %dma_wait3A_140 = arith.constant 0 : i32
        %dma_wait3A_141 = tpu.memref_slice %arg6[%mul3A_39, %dma_wait3A_140] : memref<24x128xi32, #tpu.memory_space<vmem>> -> memref<1x128xi32, #tpu.memory_space<vmem>>
        %dma_wait3A_142 = tpu.memref_squeeze %dma_wait3A_141 : memref<1x128xi32, #tpu.memory_space<vmem>> -> memref<128xi32, #tpu.memory_space<vmem>>
        %dma_wait3A_143 = arith.constant 0 : i32
        %dma_wait3A_144 = arith.constant 0 : i32
        %dma_wait3A_145 = tpu.memref_slice %arg9[%dma_wait3A_143, %dma_wait3A_144] : memref<10112x128xf32, #tpu.memory_space<vmem_shared>> -> memref<10112x128xf32, #tpu.memory_space<vmem_shared>>
        tpu.wait_indirect_dma semaphore(%run_scoped3A_133 : memref<!tpu.dma_semaphore, #tpu.memory_space<semaphore_mem>>) src(%arg7 : memref<128x128xf32, #tpu.memory_space<vmem>>) dst(%dma_wait3A_145 : memref<10112x128xf32, #tpu.memory_space<vmem_shared>>)
        tpu.yield
      }) : () -> ()
      %add3A_56 = arith.constant 2 : i32
      %add3A_57 = arith.addi %mul3A_39, %add3A_56 : i32
      %jit3A_58 = arith.constant 24 : i32
      %eq3A_59 = arith.constant 0 : i32
      %eq3A_60 = arith.cmpi eq, %jit3A_58, %eq3A_59 : i32
      %jit3A_61 = arith.constant 1 : i32
      %select_n3A_62 = arith.select %eq3A_60, %jit3A_61, %jit3A_58 : i32
      %rem3A_63 = arith.remsi %add3A_57, %select_n3A_62 : i32
      %ne3A_64 = arith.constant 0 : i32
      %ne3A_65 = arith.cmpi ne, %rem3A_63, %ne3A_64 : i32
      %lt3A_66 = arith.constant 0 : i32
      %lt3A_67 = arith.cmpi slt, %rem3A_63, %lt3A_66 : i32
      %lt3A_68 = arith.constant 0 : i32
      %lt3A_69 = arith.cmpi slt, %select_n3A_62, %lt3A_68 : i32
      %ne3A_70 = arith.xori %lt3A_67, %lt3A_69 : i1
      %and3A_71 = arith.andi %ne3A_70, %ne3A_65 : i1
      %add3A_72 = arith.addi %rem3A_63, %select_n3A_62 : i32
      %select_n3A_73 = arith.select %and3A_71, %add3A_72, %rem3A_63 : i32
      %mul3A_74 = arith.constant 128 : i32
      %mul3A_75 = arith.muli %select_n3A_73, %mul3A_74 : i32
      %add3A_76 = arith.addi %mul3A_8, %mul3A_75 : i32
      %dma_start3A_77 = arith.constant 0 : i32
      %dma_start3A_78 = tpu.memref_slice %arg2[%add3A_76, %dma_start3A_77] : memref<98304x128xf32, #tpu.memory_space<hbm>> -> memref<128x128xf32, #tpu.memory_space<hbm>>
      %dma_start3A_79 = arith.constant 0 : i32
      %dma_start3A_80 = tpu.memref_slice %arg2[%add3A_76, %dma_start3A_79] : memref<98304x128xf32, #tpu.memory_space<hbm>> -> memref<128x128xf32, #tpu.memory_space<hbm>>
      tpu.enqueue_dma source(%dma_start3A_80 : memref<128x128xf32, #tpu.memory_space<hbm>>) target(%arg7 : memref<128x128xf32, #tpu.memory_space<vmem>>) target_semaphore(%arg10 : memref<!tpu.dma_semaphore, #tpu.memory_space<semaphore_mem>>)
      %add3A_81 = arith.constant 1 : i32
      %add3A_82 = arith.addi %mul3A_39, %add3A_81 : i32
      %jit3A_83 = arith.constant 24 : i32
      %eq3A_84 = arith.constant 0 : i32
      %eq3A_85 = arith.cmpi eq, %jit3A_83, %eq3A_84 : i32
      %jit3A_86 = arith.constant 1 : i32
      %select_n3A_87 = arith.select %eq3A_85, %jit3A_86, %jit3A_83 : i32
      %rem3A_88 = arith.remsi %add3A_82, %select_n3A_87 : i32
      %ne3A_89 = arith.constant 0 : i32
      %ne3A_90 = arith.cmpi ne, %rem3A_88, %ne3A_89 : i32
      %lt3A_91 = arith.constant 0 : i32
      %lt3A_92 = arith.cmpi slt, %rem3A_88, %lt3A_91 : i32
      %lt3A_93 = arith.constant 0 : i32
      %lt3A_94 = arith.cmpi slt, %select_n3A_87, %lt3A_93 : i32
      %ne3A_95 = arith.xori %lt3A_92, %lt3A_94 : i1
      %and3A_96 = arith.andi %ne3A_95, %ne3A_90 : i1
      %add3A_97 = arith.addi %rem3A_88, %select_n3A_87 : i32
      %select_n3A_98 = arith.select %and3A_96, %add3A_97, %rem3A_88 : i32
      %mul3A_99 = arith.constant 128 : i32
      %mul3A_100 = arith.muli %select_n3A_98, %mul3A_99 : i32
      %add3A_101 = arith.addi %mul3A_8, %mul3A_100 : i32
      %dma_wait3A_102 = arith.constant 0 : i32
      %dma_wait3A_103 = tpu.memref_slice %arg2[%add3A_101, %dma_wait3A_102] : memref<98304x128xf32, #tpu.memory_space<hbm>> -> memref<128x128xf32, #tpu.memory_space<hbm>>
      %dma_wait3A_104 = arith.constant 0 : i32
      %dma_wait3A_105 = tpu.memref_slice %arg2[%add3A_101, %dma_wait3A_104] : memref<98304x128xf32, #tpu.memory_space<hbm>> -> memref<128x128xf32, #tpu.memory_space<hbm>>
      tpu.wait_dma2 semaphore(%arg11 : memref<!tpu.dma_semaphore, #tpu.memory_space<semaphore_mem>>) src(%dma_wait3A_105 : memref<128x128xf32, #tpu.memory_space<hbm>>) dst(%arg8 : memref<128x128xf32, #tpu.memory_space<vmem>>)
      %add3A_106 = arith.constant 1 : i32
      %add3A_107 = arith.addi %mul3A_39, %add3A_106 : i32
      "tpu.region"() ({
        %run_scoped3A_133 = tpu.sem_alloc : memref<!tpu.dma_semaphore, #tpu.memory_space<semaphore_mem>>
        %dma_start3A_134 = arith.constant 0 : i32
        %dma_start3A_135 = tpu.memref_slice %arg6[%add3A_107, %dma_start3A_134] : memref<24x128xi32, #tpu.memory_space<vmem>> -> memref<1x128xi32, #tpu.memory_space<vmem>>
        %dma_start3A_136 = tpu.memref_squeeze %dma_start3A_135 : memref<1x128xi32, #tpu.memory_space<vmem>> -> memref<128xi32, #tpu.memory_space<vmem>>
        %dma_start3A_137 = arith.constant 0 : i32
        %dma_start3A_138 = arith.constant 0 : i32
        %dma_start3A_139 = tpu.memref_slice %arg9[%dma_start3A_137, %dma_start3A_138] : memref<10112x128xf32, #tpu.memory_space<vmem_shared>> -> memref<10112x128xf32, #tpu.memory_space<vmem_shared>>
        tpu.enqueue_indirect_dma source(%arg8 : memref<128x128xf32, #tpu.memory_space<vmem>>) target(%dma_start3A_139 : memref<10112x128xf32, #tpu.memory_space<vmem_shared>>) offsets(%dma_start3A_136 : memref<128xi32, #tpu.memory_space<vmem>>) semaphore(%run_scoped3A_133 : memref<!tpu.dma_semaphore, #tpu.memory_space<semaphore_mem>>) {add = true}
        %dma_wait3A_140 = arith.constant 0 : i32
        %dma_wait3A_141 = tpu.memref_slice %arg6[%add3A_107, %dma_wait3A_140] : memref<24x128xi32, #tpu.memory_space<vmem>> -> memref<1x128xi32, #tpu.memory_space<vmem>>
        %dma_wait3A_142 = tpu.memref_squeeze %dma_wait3A_141 : memref<1x128xi32, #tpu.memory_space<vmem>> -> memref<128xi32, #tpu.memory_space<vmem>>
        %dma_wait3A_143 = arith.constant 0 : i32
        %dma_wait3A_144 = arith.constant 0 : i32
        %dma_wait3A_145 = tpu.memref_slice %arg9[%dma_wait3A_143, %dma_wait3A_144] : memref<10112x128xf32, #tpu.memory_space<vmem_shared>> -> memref<10112x128xf32, #tpu.memory_space<vmem_shared>>
        tpu.wait_indirect_dma semaphore(%run_scoped3A_133 : memref<!tpu.dma_semaphore, #tpu.memory_space<semaphore_mem>>) src(%arg8 : memref<128x128xf32, #tpu.memory_space<vmem>>) dst(%dma_wait3A_145 : memref<10112x128xf32, #tpu.memory_space<vmem_shared>>)
        tpu.yield
      }) : () -> ()
      %add3A_108 = arith.constant 3 : i32
      %add3A_109 = arith.addi %mul3A_39, %add3A_108 : i32
      %jit3A_110 = arith.constant 24 : i32
      %eq3A_111 = arith.constant 0 : i32
      %eq3A_112 = arith.cmpi eq, %jit3A_110, %eq3A_111 : i32
      %jit3A_113 = arith.constant 1 : i32
      %select_n3A_114 = arith.select %eq3A_112, %jit3A_113, %jit3A_110 : i32
      %rem3A_115 = arith.remsi %add3A_109, %select_n3A_114 : i32
      %ne3A_116 = arith.constant 0 : i32
      %ne3A_117 = arith.cmpi ne, %rem3A_115, %ne3A_116 : i32
      %lt3A_118 = arith.constant 0 : i32
      %lt3A_119 = arith.cmpi slt, %rem3A_115, %lt3A_118 : i32
      %lt3A_120 = arith.constant 0 : i32
      %lt3A_121 = arith.cmpi slt, %select_n3A_114, %lt3A_120 : i32
      %ne3A_122 = arith.xori %lt3A_119, %lt3A_121 : i1
      %and3A_123 = arith.andi %ne3A_122, %ne3A_117 : i1
      %add3A_124 = arith.addi %rem3A_115, %select_n3A_114 : i32
      %select_n3A_125 = arith.select %and3A_123, %add3A_124, %rem3A_115 : i32
      %mul3A_126 = arith.constant 128 : i32
      %mul3A_127 = arith.muli %select_n3A_125, %mul3A_126 : i32
      %add3A_128 = arith.addi %mul3A_8, %mul3A_127 : i32
      %dma_start3A_129 = arith.constant 0 : i32
      %dma_start3A_130 = tpu.memref_slice %arg2[%add3A_128, %dma_start3A_129] : memref<98304x128xf32, #tpu.memory_space<hbm>> -> memref<128x128xf32, #tpu.memory_space<hbm>>
      %dma_start3A_131 = arith.constant 0 : i32
      %dma_start3A_132 = tpu.memref_slice %arg2[%add3A_128, %dma_start3A_131] : memref<98304x128xf32, #tpu.memory_space<hbm>> -> memref<128x128xf32, #tpu.memory_space<hbm>>
      tpu.enqueue_dma source(%dma_start3A_132 : memref<128x128xf32, #tpu.memory_space<hbm>>) target(%arg8 : memref<128x128xf32, #tpu.memory_space<vmem>>) target_semaphore(%arg11 : memref<!tpu.dma_semaphore, #tpu.memory_space<semaphore_mem>>)
    }
    %scan3A_24 = arith.constant 12 : i32
    %add3A_25 = arith.constant 0 : i32
    %add3A_26 = arith.addi %mul3A_8, %add3A_25 : i32
    %dma_wait3A = arith.constant 0 : i32
    %dma_wait3A_27 = tpu.memref_slice %arg2[%add3A_26, %dma_wait3A] : memref<98304x128xf32, #tpu.memory_space<hbm>> -> memref<128x128xf32, #tpu.memory_space<hbm>>
    %dma_wait3A_28 = arith.constant 0 : i32
    %dma_wait3A_29 = tpu.memref_slice %arg2[%add3A_26, %dma_wait3A_28] : memref<98304x128xf32, #tpu.memory_space<hbm>> -> memref<128x128xf32, #tpu.memory_space<hbm>>
    tpu.wait_dma2 semaphore(%arg10 : memref<!tpu.dma_semaphore, #tpu.memory_space<semaphore_mem>>) src(%dma_wait3A_29 : memref<128x128xf32, #tpu.memory_space<hbm>>) dst(%arg7 : memref<128x128xf32, #tpu.memory_space<vmem>>)
    %add3A_30 = arith.constant 128 : i32
    %add3A_31 = arith.addi %mul3A_8, %add3A_30 : i32
    %dma_wait3A_32 = arith.constant 0 : i32
    %dma_wait3A_33 = tpu.memref_slice %arg2[%add3A_31, %dma_wait3A_32] : memref<98304x128xf32, #tpu.memory_space<hbm>> -> memref<128x128xf32, #tpu.memory_space<hbm>>
    %dma_wait3A_34 = arith.constant 0 : i32
    %dma_wait3A_35 = tpu.memref_slice %arg2[%add3A_31, %dma_wait3A_34] : memref<98304x128xf32, #tpu.memory_space<hbm>> -> memref<128x128xf32, #tpu.memory_space<hbm>>
    tpu.wait_dma2 semaphore(%arg11 : memref<!tpu.dma_semaphore, #tpu.memory_space<semaphore_mem>>) src(%dma_wait3A_35 : memref<128x128xf32, #tpu.memory_space<hbm>>) dst(%arg8 : memref<128x128xf32, #tpu.memory_space<vmem>>)
    %barrier3A_36 = arith.constant 0 : index
    tpu.barrier barrier_id(%barrier3A_36)
    "tpu.region"() ({
      %run_scoped3A_37 = tpu.sem_alloc : memref<!tpu.dma_semaphore, #tpu.memory_space<semaphore_mem>>
      %dma_start3A_38 = arith.constant 0 : i32
      %dma_start3A_39 = tpu.memref_slice %arg5[%arg0, %mul3A_2, %dma_start3A_38] : memref<2x10112x128xf32, #tpu.memory_space<hbm>> -> memref<1x632x128xf32, #tpu.memory_space<hbm>>
      %dma_start3A_40 = tpu.memref_squeeze %dma_start3A_39 : memref<1x632x128xf32, #tpu.memory_space<hbm>> -> memref<632x128xf32, #tpu.memory_space<hbm>>
      %dma_start3A_41 = arith.constant 0 : i32
      %dma_start3A_42 = tpu.memref_slice %arg9[%mul3A_2, %dma_start3A_41] : memref<10112x128xf32, #tpu.memory_space<vmem_shared>> -> memref<632x128xf32, #tpu.memory_space<vmem_shared>>
      tpu.enqueue_dma source(%dma_start3A_42 : memref<632x128xf32, #tpu.memory_space<vmem_shared>>) target(%dma_start3A_40 : memref<632x128xf32, #tpu.memory_space<hbm>>) target_semaphore(%run_scoped3A_37 : memref<!tpu.dma_semaphore, #tpu.memory_space<semaphore_mem>>)
      %dma_wait3A_43 = arith.constant 0 : i32
      %dma_wait3A_44 = tpu.memref_slice %arg5[%arg0, %mul3A_2, %dma_wait3A_43] : memref<2x10112x128xf32, #tpu.memory_space<hbm>> -> memref<1x632x128xf32, #tpu.memory_space<hbm>>
      %dma_wait3A_45 = tpu.memref_squeeze %dma_wait3A_44 : memref<1x632x128xf32, #tpu.memory_space<hbm>> -> memref<632x128xf32, #tpu.memory_space<hbm>>
      %dma_wait3A_46 = arith.constant 0 : i32
      %dma_wait3A_47 = tpu.memref_slice %arg9[%mul3A_2, %dma_wait3A_46] : memref<10112x128xf32, #tpu.memory_space<vmem_shared>> -> memref<632x128xf32, #tpu.memory_space<vmem_shared>>
      tpu.wait_dma2 semaphore(%run_scoped3A_37 : memref<!tpu.dma_semaphore, #tpu.memory_space<semaphore_mem>>) src(%dma_wait3A_47 : memref<632x128xf32, #tpu.memory_space<vmem_shared>>) dst(%dma_wait3A_45 : memref<632x128xf32, #tpu.memory_space<hbm>>)
      tpu.yield
    }) : () -> ()
    return
  }
}

#map = affine_map<(d0, d1) -> (0, 0)>
#map1 = affine_map<(d0, d1) -> (0, 0, 0)>
module attributes {stable_mosaic.version = 14 : i64} {
  func.func @_scatter_body(%arg0: i32, %arg1: i32, %arg2: memref<32768x128xf32, #tpu.memory_space<hbm>>, %arg3: memref<2x2560x128xi32, #tpu.memory_space<hbm>>, %arg4: memref<10112x128xf32, #tpu.memory_space<hbm>>, %arg5: memref<2x10112x128xf32, #tpu.memory_space<hbm>>, %arg6: memref<8x128xi32, #tpu.memory_space<vmem>>, %arg7: memref<128x128xf32, #tpu.memory_space<vmem>>, %arg8: memref<128x128xf32, #tpu.memory_space<vmem>>, %arg9: memref<10112x128xf32, #tpu.memory_space<vmem_shared>>, %arg10: memref<!tpu.dma_semaphore, #tpu.memory_space<semaphore_mem>>, %arg11: memref<!tpu.dma_semaphore, #tpu.memory_space<semaphore_mem>>) attributes {dimension_semantics = [#tpu.dimension_semantics<core_parallel>, #tpu.dimension_semantics<subcore_parallel>], iteration_bounds = array<i64: 2, 16>, scalar_prefetch = 0 : i64, scratch_operands = 6 : i64, tpu.core_type = #tpu.core_type<sc_vector_subcore>, window_params = [{transform_indices = #map}, {transform_indices = #map1}, {transform_indices = #map}, {transform_indices = #map1}]} {
    %mul3A = arith.constant 16 : i32
    %mul3A_0 = arith.muli %arg0, %mul3A : i32
    %add3A = arith.addi %mul3A_0, %arg1 : i32
    %mul3A_1 = arith.constant 632 : i32
    %mul3A_2 = arith.muli %arg1, %mul3A_1 : i32
    "tpu.region"() ({
      %run_scoped3A_37 = tpu.sem_alloc : memref<!tpu.dma_semaphore, #tpu.memory_space<semaphore_mem>>
      %dma_start3A_38 = arith.constant 0 : i32
      %dma_start3A_39 = tpu.memref_slice %arg9[%mul3A_2, %dma_start3A_38] : memref<10112x128xf32, #tpu.memory_space<vmem_shared>> -> memref<632x128xf32, #tpu.memory_space<vmem_shared>>
      %dma_start3A_40 = arith.constant 0 : i32
      %dma_start3A_41 = tpu.memref_slice %arg4[%mul3A_2, %dma_start3A_40] : memref<10112x128xf32, #tpu.memory_space<hbm>> -> memref<632x128xf32, #tpu.memory_space<hbm>>
      tpu.enqueue_dma source(%dma_start3A_41 : memref<632x128xf32, #tpu.memory_space<hbm>>) target(%dma_start3A_39 : memref<632x128xf32, #tpu.memory_space<vmem_shared>>) target_semaphore(%run_scoped3A_37 : memref<!tpu.dma_semaphore, #tpu.memory_space<semaphore_mem>>)
      %dma_wait3A_42 = arith.constant 0 : i32
      %dma_wait3A_43 = tpu.memref_slice %arg9[%mul3A_2, %dma_wait3A_42] : memref<10112x128xf32, #tpu.memory_space<vmem_shared>> -> memref<632x128xf32, #tpu.memory_space<vmem_shared>>
      %dma_wait3A_44 = arith.constant 0 : i32
      %dma_wait3A_45 = tpu.memref_slice %arg4[%mul3A_2, %dma_wait3A_44] : memref<10112x128xf32, #tpu.memory_space<hbm>> -> memref<632x128xf32, #tpu.memory_space<hbm>>
      tpu.wait_dma2 semaphore(%run_scoped3A_37 : memref<!tpu.dma_semaphore, #tpu.memory_space<semaphore_mem>>) src(%dma_wait3A_45 : memref<632x128xf32, #tpu.memory_space<hbm>>) dst(%dma_wait3A_43 : memref<632x128xf32, #tpu.memory_space<vmem_shared>>)
      tpu.yield
    }) : () -> ()
    %mul3A_3 = arith.constant 8 : i32
    %mul3A_4 = arith.muli %add3A, %mul3A_3 : i32
    %add3A_5 = arith.constant 0 : i32
    %add3A_6 = arith.addi %add3A_5, %mul3A_4 : i32
    %run_scoped3A = arith.constant 1 : i32
    "tpu.region"() ({
      %run_scoped3A_37 = tpu.sem_alloc : memref<!tpu.dma_semaphore, #tpu.memory_space<semaphore_mem>>
      %dma_start3A_38 = arith.constant 0 : i32
      %dma_start3A_39 = tpu.memref_slice %arg3[%run_scoped3A, %add3A_6, %dma_start3A_38] : memref<2x2560x128xi32, #tpu.memory_space<hbm>> -> memref<1x8x128xi32, #tpu.memory_space<hbm>>
      %dma_start3A_40 = tpu.memref_squeeze %dma_start3A_39 : memref<1x8x128xi32, #tpu.memory_space<hbm>> -> memref<8x128xi32, #tpu.memory_space<hbm>>
      %dma_start3A_41 = arith.constant 0 : i32
      %dma_start3A_42 = tpu.memref_slice %arg3[%run_scoped3A, %add3A_6, %dma_start3A_41] : memref<2x2560x128xi32, #tpu.memory_space<hbm>> -> memref<1x8x128xi32, #tpu.memory_space<hbm>>
      %dma_start3A_43 = tpu.memref_squeeze %dma_start3A_42 : memref<1x8x128xi32, #tpu.memory_space<hbm>> -> memref<8x128xi32, #tpu.memory_space<hbm>>
      tpu.enqueue_dma source(%dma_start3A_43 : memref<8x128xi32, #tpu.memory_space<hbm>>) target(%arg6 : memref<8x128xi32, #tpu.memory_space<vmem>>) target_semaphore(%run_scoped3A_37 : memref<!tpu.dma_semaphore, #tpu.memory_space<semaphore_mem>>)
      %dma_wait3A_44 = arith.constant 0 : i32
      %dma_wait3A_45 = tpu.memref_slice %arg3[%run_scoped3A, %add3A_6, %dma_wait3A_44] : memref<2x2560x128xi32, #tpu.memory_space<hbm>> -> memref<1x8x128xi32, #tpu.memory_space<hbm>>
      %dma_wait3A_46 = tpu.memref_squeeze %dma_wait3A_45 : memref<1x8x128xi32, #tpu.memory_space<hbm>> -> memref<8x128xi32, #tpu.memory_space<hbm>>
      %dma_wait3A_47 = arith.constant 0 : i32
      %dma_wait3A_48 = tpu.memref_slice %arg3[%run_scoped3A, %add3A_6, %dma_wait3A_47] : memref<2x2560x128xi32, #tpu.memory_space<hbm>> -> memref<1x8x128xi32, #tpu.memory_space<hbm>>
      %dma_wait3A_49 = tpu.memref_squeeze %dma_wait3A_48 : memref<1x8x128xi32, #tpu.memory_space<hbm>> -> memref<8x128xi32, #tpu.memory_space<hbm>>
      tpu.wait_dma2 semaphore(%run_scoped3A_37 : memref<!tpu.dma_semaphore, #tpu.memory_space<semaphore_mem>>) src(%dma_wait3A_49 : memref<8x128xi32, #tpu.memory_space<hbm>>) dst(%arg6 : memref<8x128xi32, #tpu.memory_space<vmem>>)
      tpu.yield
    }) : () -> ()
    %barrier3A = arith.constant 0 : index
    tpu.barrier barrier_id(%barrier3A)
    %mul3A_7 = arith.constant 1024 : i32
    %mul3A_8 = arith.muli %add3A, %mul3A_7 : i32
    %add3A_9 = arith.constant 0 : i32
    %add3A_10 = arith.addi %mul3A_8, %add3A_9 : i32
    %dma_start3A = arith.constant 0 : i32
    %dma_start3A_11 = tpu.memref_slice %arg2[%add3A_10, %dma_start3A] : memref<32768x128xf32, #tpu.memory_space<hbm>> -> memref<128x128xf32, #tpu.memory_space<hbm>>
    %dma_start3A_12 = arith.constant 0 : i32
    %dma_start3A_13 = tpu.memref_slice %arg2[%add3A_10, %dma_start3A_12] : memref<32768x128xf32, #tpu.memory_space<hbm>> -> memref<128x128xf32, #tpu.memory_space<hbm>>
    tpu.enqueue_dma source(%dma_start3A_13 : memref<128x128xf32, #tpu.memory_space<hbm>>) target(%arg7 : memref<128x128xf32, #tpu.memory_space<vmem>>) target_semaphore(%arg10 : memref<!tpu.dma_semaphore, #tpu.memory_space<semaphore_mem>>)
    %add3A_14 = arith.constant 128 : i32
    %add3A_15 = arith.addi %mul3A_8, %add3A_14 : i32
    %dma_start3A_16 = arith.constant 0 : i32
    %dma_start3A_17 = tpu.memref_slice %arg2[%add3A_15, %dma_start3A_16] : memref<32768x128xf32, #tpu.memory_space<hbm>> -> memref<128x128xf32, #tpu.memory_space<hbm>>
    %dma_start3A_18 = arith.constant 0 : i32
    %dma_start3A_19 = tpu.memref_slice %arg2[%add3A_15, %dma_start3A_18] : memref<32768x128xf32, #tpu.memory_space<hbm>> -> memref<128x128xf32, #tpu.memory_space<hbm>>
    tpu.enqueue_dma source(%dma_start3A_19 : memref<128x128xf32, #tpu.memory_space<hbm>>) target(%arg8 : memref<128x128xf32, #tpu.memory_space<vmem>>) target_semaphore(%arg11 : memref<!tpu.dma_semaphore, #tpu.memory_space<semaphore_mem>>)
    %scan3A = arith.constant 0 : i32
    %scan3A_20 = arith.constant 0 : i32
    %scan3A_21 = arith.constant 4 : i32
    %scan3A_22 = arith.addi %scan3A_20, %scan3A_21 : i32
    %scan3A_23 = arith.constant 1 : i32
    scf.for %scan3A_37 = %scan3A_20 to %scan3A_22 step %scan3A_23  : i32 {
      %mul3A_38 = arith.constant 2 : i32
      %mul3A_39 = arith.muli %scan3A_37, %mul3A_38 : i32
      %jit3A = arith.constant 8 : i32
      %eq3A = arith.constant 0 : i32
      %eq3A_40 = arith.cmpi eq, %jit3A, %eq3A : i32
      %jit3A_41 = arith.constant 1 : i32
      %select_n3A = arith.select %eq3A_40, %jit3A_41, %jit3A : i32
      %rem3A = arith.remsi %mul3A_39, %select_n3A : i32
      %ne3A = arith.constant 0 : i32
      %ne3A_42 = arith.cmpi ne, %rem3A, %ne3A : i32
      %lt3A = arith.constant 0 : i32
      %lt3A_43 = arith.cmpi slt, %rem3A, %lt3A : i32
      %lt3A_44 = arith.constant 0 : i32
      %lt3A_45 = arith.cmpi slt, %select_n3A, %lt3A_44 : i32
      %ne3A_46 = arith.xori %lt3A_43, %lt3A_45 : i1
      %and3A = arith.andi %ne3A_46, %ne3A_42 : i1
      %add3A_47 = arith.addi %rem3A, %select_n3A : i32
      %select_n3A_48 = arith.select %and3A, %add3A_47, %rem3A : i32
      %mul3A_49 = arith.constant 128 : i32
      %mul3A_50 = arith.muli %select_n3A_48, %mul3A_49 : i32
      %add3A_51 = arith.addi %mul3A_8, %mul3A_50 : i32
      %dma_wait3A_52 = arith.constant 0 : i32
      %dma_wait3A_53 = tpu.memref_slice %arg2[%add3A_51, %dma_wait3A_52] : memref<32768x128xf32, #tpu.memory_space<hbm>> -> memref<128x128xf32, #tpu.memory_space<hbm>>
      %dma_wait3A_54 = arith.constant 0 : i32
      %dma_wait3A_55 = tpu.memref_slice %arg2[%add3A_51, %dma_wait3A_54] : memref<32768x128xf32, #tpu.memory_space<hbm>> -> memref<128x128xf32, #tpu.memory_space<hbm>>
      tpu.wait_dma2 semaphore(%arg10 : memref<!tpu.dma_semaphore, #tpu.memory_space<semaphore_mem>>) src(%dma_wait3A_55 : memref<128x128xf32, #tpu.memory_space<hbm>>) dst(%arg7 : memref<128x128xf32, #tpu.memory_space<vmem>>)
      "tpu.region"() ({
        %run_scoped3A_133 = tpu.sem_alloc : memref<!tpu.dma_semaphore, #tpu.memory_space<semaphore_mem>>
        %dma_start3A_134 = arith.constant 0 : i32
        %dma_start3A_135 = tpu.memref_slice %arg6[%mul3A_39, %dma_start3A_134] : memref<8x128xi32, #tpu.memory_space<vmem>> -> memref<1x128xi32, #tpu.memory_space<vmem>>
        %dma_start3A_136 = tpu.memref_squeeze %dma_start3A_135 : memref<1x128xi32, #tpu.memory_space<vmem>> -> memref<128xi32, #tpu.memory_space<vmem>>
        %dma_start3A_137 = arith.constant 0 : i32
        %dma_start3A_138 = arith.constant 0 : i32
        %dma_start3A_139 = tpu.memref_slice %arg9[%dma_start3A_137, %dma_start3A_138] : memref<10112x128xf32, #tpu.memory_space<vmem_shared>> -> memref<10112x128xf32, #tpu.memory_space<vmem_shared>>
        tpu.enqueue_indirect_dma source(%arg7 : memref<128x128xf32, #tpu.memory_space<vmem>>) target(%dma_start3A_139 : memref<10112x128xf32, #tpu.memory_space<vmem_shared>>) offsets(%dma_start3A_136 : memref<128xi32, #tpu.memory_space<vmem>>) semaphore(%run_scoped3A_133 : memref<!tpu.dma_semaphore, #tpu.memory_space<semaphore_mem>>) {add = true}
        %dma_wait3A_140 = arith.constant 0 : i32
        %dma_wait3A_141 = tpu.memref_slice %arg6[%mul3A_39, %dma_wait3A_140] : memref<8x128xi32, #tpu.memory_space<vmem>> -> memref<1x128xi32, #tpu.memory_space<vmem>>
        %dma_wait3A_142 = tpu.memref_squeeze %dma_wait3A_141 : memref<1x128xi32, #tpu.memory_space<vmem>> -> memref<128xi32, #tpu.memory_space<vmem>>
        %dma_wait3A_143 = arith.constant 0 : i32
        %dma_wait3A_144 = arith.constant 0 : i32
        %dma_wait3A_145 = tpu.memref_slice %arg9[%dma_wait3A_143, %dma_wait3A_144] : memref<10112x128xf32, #tpu.memory_space<vmem_shared>> -> memref<10112x128xf32, #tpu.memory_space<vmem_shared>>
        tpu.wait_indirect_dma semaphore(%run_scoped3A_133 : memref<!tpu.dma_semaphore, #tpu.memory_space<semaphore_mem>>) src(%arg7 : memref<128x128xf32, #tpu.memory_space<vmem>>) dst(%dma_wait3A_145 : memref<10112x128xf32, #tpu.memory_space<vmem_shared>>)
        tpu.yield
      }) : () -> ()
      %add3A_56 = arith.constant 2 : i32
      %add3A_57 = arith.addi %mul3A_39, %add3A_56 : i32
      %jit3A_58 = arith.constant 8 : i32
      %eq3A_59 = arith.constant 0 : i32
      %eq3A_60 = arith.cmpi eq, %jit3A_58, %eq3A_59 : i32
      %jit3A_61 = arith.constant 1 : i32
      %select_n3A_62 = arith.select %eq3A_60, %jit3A_61, %jit3A_58 : i32
      %rem3A_63 = arith.remsi %add3A_57, %select_n3A_62 : i32
      %ne3A_64 = arith.constant 0 : i32
      %ne3A_65 = arith.cmpi ne, %rem3A_63, %ne3A_64 : i32
      %lt3A_66 = arith.constant 0 : i32
      %lt3A_67 = arith.cmpi slt, %rem3A_63, %lt3A_66 : i32
      %lt3A_68 = arith.constant 0 : i32
      %lt3A_69 = arith.cmpi slt, %select_n3A_62, %lt3A_68 : i32
      %ne3A_70 = arith.xori %lt3A_67, %lt3A_69 : i1
      %and3A_71 = arith.andi %ne3A_70, %ne3A_65 : i1
      %add3A_72 = arith.addi %rem3A_63, %select_n3A_62 : i32
      %select_n3A_73 = arith.select %and3A_71, %add3A_72, %rem3A_63 : i32
      %mul3A_74 = arith.constant 128 : i32
      %mul3A_75 = arith.muli %select_n3A_73, %mul3A_74 : i32
      %add3A_76 = arith.addi %mul3A_8, %mul3A_75 : i32
      %dma_start3A_77 = arith.constant 0 : i32
      %dma_start3A_78 = tpu.memref_slice %arg2[%add3A_76, %dma_start3A_77] : memref<32768x128xf32, #tpu.memory_space<hbm>> -> memref<128x128xf32, #tpu.memory_space<hbm>>
      %dma_start3A_79 = arith.constant 0 : i32
      %dma_start3A_80 = tpu.memref_slice %arg2[%add3A_76, %dma_start3A_79] : memref<32768x128xf32, #tpu.memory_space<hbm>> -> memref<128x128xf32, #tpu.memory_space<hbm>>
      tpu.enqueue_dma source(%dma_start3A_80 : memref<128x128xf32, #tpu.memory_space<hbm>>) target(%arg7 : memref<128x128xf32, #tpu.memory_space<vmem>>) target_semaphore(%arg10 : memref<!tpu.dma_semaphore, #tpu.memory_space<semaphore_mem>>)
      %add3A_81 = arith.constant 1 : i32
      %add3A_82 = arith.addi %mul3A_39, %add3A_81 : i32
      %jit3A_83 = arith.constant 8 : i32
      %eq3A_84 = arith.constant 0 : i32
      %eq3A_85 = arith.cmpi eq, %jit3A_83, %eq3A_84 : i32
      %jit3A_86 = arith.constant 1 : i32
      %select_n3A_87 = arith.select %eq3A_85, %jit3A_86, %jit3A_83 : i32
      %rem3A_88 = arith.remsi %add3A_82, %select_n3A_87 : i32
      %ne3A_89 = arith.constant 0 : i32
      %ne3A_90 = arith.cmpi ne, %rem3A_88, %ne3A_89 : i32
      %lt3A_91 = arith.constant 0 : i32
      %lt3A_92 = arith.cmpi slt, %rem3A_88, %lt3A_91 : i32
      %lt3A_93 = arith.constant 0 : i32
      %lt3A_94 = arith.cmpi slt, %select_n3A_87, %lt3A_93 : i32
      %ne3A_95 = arith.xori %lt3A_92, %lt3A_94 : i1
      %and3A_96 = arith.andi %ne3A_95, %ne3A_90 : i1
      %add3A_97 = arith.addi %rem3A_88, %select_n3A_87 : i32
      %select_n3A_98 = arith.select %and3A_96, %add3A_97, %rem3A_88 : i32
      %mul3A_99 = arith.constant 128 : i32
      %mul3A_100 = arith.muli %select_n3A_98, %mul3A_99 : i32
      %add3A_101 = arith.addi %mul3A_8, %mul3A_100 : i32
      %dma_wait3A_102 = arith.constant 0 : i32
      %dma_wait3A_103 = tpu.memref_slice %arg2[%add3A_101, %dma_wait3A_102] : memref<32768x128xf32, #tpu.memory_space<hbm>> -> memref<128x128xf32, #tpu.memory_space<hbm>>
      %dma_wait3A_104 = arith.constant 0 : i32
      %dma_wait3A_105 = tpu.memref_slice %arg2[%add3A_101, %dma_wait3A_104] : memref<32768x128xf32, #tpu.memory_space<hbm>> -> memref<128x128xf32, #tpu.memory_space<hbm>>
      tpu.wait_dma2 semaphore(%arg11 : memref<!tpu.dma_semaphore, #tpu.memory_space<semaphore_mem>>) src(%dma_wait3A_105 : memref<128x128xf32, #tpu.memory_space<hbm>>) dst(%arg8 : memref<128x128xf32, #tpu.memory_space<vmem>>)
      %add3A_106 = arith.constant 1 : i32
      %add3A_107 = arith.addi %mul3A_39, %add3A_106 : i32
      "tpu.region"() ({
        %run_scoped3A_133 = tpu.sem_alloc : memref<!tpu.dma_semaphore, #tpu.memory_space<semaphore_mem>>
        %dma_start3A_134 = arith.constant 0 : i32
        %dma_start3A_135 = tpu.memref_slice %arg6[%add3A_107, %dma_start3A_134] : memref<8x128xi32, #tpu.memory_space<vmem>> -> memref<1x128xi32, #tpu.memory_space<vmem>>
        %dma_start3A_136 = tpu.memref_squeeze %dma_start3A_135 : memref<1x128xi32, #tpu.memory_space<vmem>> -> memref<128xi32, #tpu.memory_space<vmem>>
        %dma_start3A_137 = arith.constant 0 : i32
        %dma_start3A_138 = arith.constant 0 : i32
        %dma_start3A_139 = tpu.memref_slice %arg9[%dma_start3A_137, %dma_start3A_138] : memref<10112x128xf32, #tpu.memory_space<vmem_shared>> -> memref<10112x128xf32, #tpu.memory_space<vmem_shared>>
        tpu.enqueue_indirect_dma source(%arg8 : memref<128x128xf32, #tpu.memory_space<vmem>>) target(%dma_start3A_139 : memref<10112x128xf32, #tpu.memory_space<vmem_shared>>) offsets(%dma_start3A_136 : memref<128xi32, #tpu.memory_space<vmem>>) semaphore(%run_scoped3A_133 : memref<!tpu.dma_semaphore, #tpu.memory_space<semaphore_mem>>) {add = true}
        %dma_wait3A_140 = arith.constant 0 : i32
        %dma_wait3A_141 = tpu.memref_slice %arg6[%add3A_107, %dma_wait3A_140] : memref<8x128xi32, #tpu.memory_space<vmem>> -> memref<1x128xi32, #tpu.memory_space<vmem>>
        %dma_wait3A_142 = tpu.memref_squeeze %dma_wait3A_141 : memref<1x128xi32, #tpu.memory_space<vmem>> -> memref<128xi32, #tpu.memory_space<vmem>>
        %dma_wait3A_143 = arith.constant 0 : i32
        %dma_wait3A_144 = arith.constant 0 : i32
        %dma_wait3A_145 = tpu.memref_slice %arg9[%dma_wait3A_143, %dma_wait3A_144] : memref<10112x128xf32, #tpu.memory_space<vmem_shared>> -> memref<10112x128xf32, #tpu.memory_space<vmem_shared>>
        tpu.wait_indirect_dma semaphore(%run_scoped3A_133 : memref<!tpu.dma_semaphore, #tpu.memory_space<semaphore_mem>>) src(%arg8 : memref<128x128xf32, #tpu.memory_space<vmem>>) dst(%dma_wait3A_145 : memref<10112x128xf32, #tpu.memory_space<vmem_shared>>)
        tpu.yield
      }) : () -> ()
      %add3A_108 = arith.constant 3 : i32
      %add3A_109 = arith.addi %mul3A_39, %add3A_108 : i32
      %jit3A_110 = arith.constant 8 : i32
      %eq3A_111 = arith.constant 0 : i32
      %eq3A_112 = arith.cmpi eq, %jit3A_110, %eq3A_111 : i32
      %jit3A_113 = arith.constant 1 : i32
      %select_n3A_114 = arith.select %eq3A_112, %jit3A_113, %jit3A_110 : i32
      %rem3A_115 = arith.remsi %add3A_109, %select_n3A_114 : i32
      %ne3A_116 = arith.constant 0 : i32
      %ne3A_117 = arith.cmpi ne, %rem3A_115, %ne3A_116 : i32
      %lt3A_118 = arith.constant 0 : i32
      %lt3A_119 = arith.cmpi slt, %rem3A_115, %lt3A_118 : i32
      %lt3A_120 = arith.constant 0 : i32
      %lt3A_121 = arith.cmpi slt, %select_n3A_114, %lt3A_120 : i32
      %ne3A_122 = arith.xori %lt3A_119, %lt3A_121 : i1
      %and3A_123 = arith.andi %ne3A_122, %ne3A_117 : i1
      %add3A_124 = arith.addi %rem3A_115, %select_n3A_114 : i32
      %select_n3A_125 = arith.select %and3A_123, %add3A_124, %rem3A_115 : i32
      %mul3A_126 = arith.constant 128 : i32
      %mul3A_127 = arith.muli %select_n3A_125, %mul3A_126 : i32
      %add3A_128 = arith.addi %mul3A_8, %mul3A_127 : i32
      %dma_start3A_129 = arith.constant 0 : i32
      %dma_start3A_130 = tpu.memref_slice %arg2[%add3A_128, %dma_start3A_129] : memref<32768x128xf32, #tpu.memory_space<hbm>> -> memref<128x128xf32, #tpu.memory_space<hbm>>
      %dma_start3A_131 = arith.constant 0 : i32
      %dma_start3A_132 = tpu.memref_slice %arg2[%add3A_128, %dma_start3A_131] : memref<32768x128xf32, #tpu.memory_space<hbm>> -> memref<128x128xf32, #tpu.memory_space<hbm>>
      tpu.enqueue_dma source(%dma_start3A_132 : memref<128x128xf32, #tpu.memory_space<hbm>>) target(%arg8 : memref<128x128xf32, #tpu.memory_space<vmem>>) target_semaphore(%arg11 : memref<!tpu.dma_semaphore, #tpu.memory_space<semaphore_mem>>)
    }
    %scan3A_24 = arith.constant 4 : i32
    %add3A_25 = arith.constant 0 : i32
    %add3A_26 = arith.addi %mul3A_8, %add3A_25 : i32
    %dma_wait3A = arith.constant 0 : i32
    %dma_wait3A_27 = tpu.memref_slice %arg2[%add3A_26, %dma_wait3A] : memref<32768x128xf32, #tpu.memory_space<hbm>> -> memref<128x128xf32, #tpu.memory_space<hbm>>
    %dma_wait3A_28 = arith.constant 0 : i32
    %dma_wait3A_29 = tpu.memref_slice %arg2[%add3A_26, %dma_wait3A_28] : memref<32768x128xf32, #tpu.memory_space<hbm>> -> memref<128x128xf32, #tpu.memory_space<hbm>>
    tpu.wait_dma2 semaphore(%arg10 : memref<!tpu.dma_semaphore, #tpu.memory_space<semaphore_mem>>) src(%dma_wait3A_29 : memref<128x128xf32, #tpu.memory_space<hbm>>) dst(%arg7 : memref<128x128xf32, #tpu.memory_space<vmem>>)
    %add3A_30 = arith.constant 128 : i32
    %add3A_31 = arith.addi %mul3A_8, %add3A_30 : i32
    %dma_wait3A_32 = arith.constant 0 : i32
    %dma_wait3A_33 = tpu.memref_slice %arg2[%add3A_31, %dma_wait3A_32] : memref<32768x128xf32, #tpu.memory_space<hbm>> -> memref<128x128xf32, #tpu.memory_space<hbm>>
    %dma_wait3A_34 = arith.constant 0 : i32
    %dma_wait3A_35 = tpu.memref_slice %arg2[%add3A_31, %dma_wait3A_34] : memref<32768x128xf32, #tpu.memory_space<hbm>> -> memref<128x128xf32, #tpu.memory_space<hbm>>
    tpu.wait_dma2 semaphore(%arg11 : memref<!tpu.dma_semaphore, #tpu.memory_space<semaphore_mem>>) src(%dma_wait3A_35 : memref<128x128xf32, #tpu.memory_space<hbm>>) dst(%arg8 : memref<128x128xf32, #tpu.memory_space<vmem>>)
    %barrier3A_36 = arith.constant 0 : index
    tpu.barrier barrier_id(%barrier3A_36)
    "tpu.region"() ({
      %run_scoped3A_37 = tpu.sem_alloc : memref<!tpu.dma_semaphore, #tpu.memory_space<semaphore_mem>>
      %dma_start3A_38 = arith.constant 0 : i32
      %dma_start3A_39 = tpu.memref_slice %arg5[%arg0, %mul3A_2, %dma_start3A_38] : memref<2x10112x128xf32, #tpu.memory_space<hbm>> -> memref<1x632x128xf32, #tpu.memory_space<hbm>>
      %dma_start3A_40 = tpu.memref_squeeze %dma_start3A_39 : memref<1x632x128xf32, #tpu.memory_space<hbm>> -> memref<632x128xf32, #tpu.memory_space<hbm>>
      %dma_start3A_41 = arith.constant 0 : i32
      %dma_start3A_42 = tpu.memref_slice %arg9[%mul3A_2, %dma_start3A_41] : memref<10112x128xf32, #tpu.memory_space<vmem_shared>> -> memref<632x128xf32, #tpu.memory_space<vmem_shared>>
      tpu.enqueue_dma source(%dma_start3A_42 : memref<632x128xf32, #tpu.memory_space<vmem_shared>>) target(%dma_start3A_40 : memref<632x128xf32, #tpu.memory_space<hbm>>) target_semaphore(%run_scoped3A_37 : memref<!tpu.dma_semaphore, #tpu.memory_space<semaphore_mem>>)
      %dma_wait3A_43 = arith.constant 0 : i32
      %dma_wait3A_44 = tpu.memref_slice %arg5[%arg0, %mul3A_2, %dma_wait3A_43] : memref<2x10112x128xf32, #tpu.memory_space<hbm>> -> memref<1x632x128xf32, #tpu.memory_space<hbm>>
      %dma_wait3A_45 = tpu.memref_squeeze %dma_wait3A_44 : memref<1x632x128xf32, #tpu.memory_space<hbm>> -> memref<632x128xf32, #tpu.memory_space<hbm>>
      %dma_wait3A_46 = arith.constant 0 : i32
      %dma_wait3A_47 = tpu.memref_slice %arg9[%mul3A_2, %dma_wait3A_46] : memref<10112x128xf32, #tpu.memory_space<vmem_shared>> -> memref<632x128xf32, #tpu.memory_space<vmem_shared>>
      tpu.wait_dma2 semaphore(%run_scoped3A_37 : memref<!tpu.dma_semaphore, #tpu.memory_space<semaphore_mem>>) src(%dma_wait3A_47 : memref<632x128xf32, #tpu.memory_space<vmem_shared>>) dst(%dma_wait3A_45 : memref<632x128xf32, #tpu.memory_space<hbm>>)
      tpu.yield
    }) : () -> ()
    return
  }
}

#map = affine_map<(d0, d1) -> (0, 0)>
#map1 = affine_map<(d0, d1) -> (0, 0, 0)>
module attributes {stable_mosaic.version = 14 : i64} {
  func.func @_scatter_body(%arg0: i32, %arg1: i32, %arg2: memref<98304x128xf32, #tpu.memory_space<hbm>>, %arg3: memref<2x2560x128xi32, #tpu.memory_space<hbm>>, %arg4: memref<2x10112x128xf32, #tpu.memory_space<hbm>>, %arg5: memref<2x10112x128xf32, #tpu.memory_space<hbm>>, %arg6: memref<24x128xi32, #tpu.memory_space<vmem>>, %arg7: memref<128x128xf32, #tpu.memory_space<vmem>>, %arg8: memref<128x128xf32, #tpu.memory_space<vmem>>, %arg9: memref<10112x128xf32, #tpu.memory_space<vmem_shared>>, %arg10: memref<!tpu.dma_semaphore, #tpu.memory_space<semaphore_mem>>, %arg11: memref<!tpu.dma_semaphore, #tpu.memory_space<semaphore_mem>>) attributes {dimension_semantics = [#tpu.dimension_semantics<core_parallel>, #tpu.dimension_semantics<subcore_parallel>], iteration_bounds = array<i64: 2, 16>, scalar_prefetch = 0 : i64, scratch_operands = 6 : i64, tpu.core_type = #tpu.core_type<sc_vector_subcore>, window_params = [{transform_indices = #map}, {transform_indices = #map1}, {transform_indices = #map1}, {transform_indices = #map1}]} {
    %mul3A = arith.constant 16 : i32
    %mul3A_0 = arith.muli %arg0, %mul3A : i32
    %add3A = arith.addi %mul3A_0, %arg1 : i32
    %mul3A_1 = arith.constant 632 : i32
    %mul3A_2 = arith.muli %arg1, %mul3A_1 : i32
    "tpu.region"() ({
      %run_scoped3A_37 = tpu.sem_alloc : memref<!tpu.dma_semaphore, #tpu.memory_space<semaphore_mem>>
      %dma_start3A_38 = arith.constant 0 : i32
      %dma_start3A_39 = tpu.memref_slice %arg9[%mul3A_2, %dma_start3A_38] : memref<10112x128xf32, #tpu.memory_space<vmem_shared>> -> memref<632x128xf32, #tpu.memory_space<vmem_shared>>
      %dma_start3A_40 = arith.constant 0 : i32
      %dma_start3A_41 = tpu.memref_slice %arg4[%arg0, %mul3A_2, %dma_start3A_40] : memref<2x10112x128xf32, #tpu.memory_space<hbm>> -> memref<1x632x128xf32, #tpu.memory_space<hbm>>
      %dma_start3A_42 = tpu.memref_squeeze %dma_start3A_41 : memref<1x632x128xf32, #tpu.memory_space<hbm>> -> memref<632x128xf32, #tpu.memory_space<hbm>>
      tpu.enqueue_dma source(%dma_start3A_42 : memref<632x128xf32, #tpu.memory_space<hbm>>) target(%dma_start3A_39 : memref<632x128xf32, #tpu.memory_space<vmem_shared>>) target_semaphore(%run_scoped3A_37 : memref<!tpu.dma_semaphore, #tpu.memory_space<semaphore_mem>>)
      %dma_wait3A_43 = arith.constant 0 : i32
      %dma_wait3A_44 = tpu.memref_slice %arg9[%mul3A_2, %dma_wait3A_43] : memref<10112x128xf32, #tpu.memory_space<vmem_shared>> -> memref<632x128xf32, #tpu.memory_space<vmem_shared>>
      %dma_wait3A_45 = arith.constant 0 : i32
      %dma_wait3A_46 = tpu.memref_slice %arg4[%arg0, %mul3A_2, %dma_wait3A_45] : memref<2x10112x128xf32, #tpu.memory_space<hbm>> -> memref<1x632x128xf32, #tpu.memory_space<hbm>>
      %dma_wait3A_47 = tpu.memref_squeeze %dma_wait3A_46 : memref<1x632x128xf32, #tpu.memory_space<hbm>> -> memref<632x128xf32, #tpu.memory_space<hbm>>
      tpu.wait_dma2 semaphore(%run_scoped3A_37 : memref<!tpu.dma_semaphore, #tpu.memory_space<semaphore_mem>>) src(%dma_wait3A_47 : memref<632x128xf32, #tpu.memory_space<hbm>>) dst(%dma_wait3A_44 : memref<632x128xf32, #tpu.memory_space<vmem_shared>>)
      tpu.yield
    }) : () -> ()
    %mul3A_3 = arith.constant 24 : i32
    %mul3A_4 = arith.muli %add3A, %mul3A_3 : i32
    %add3A_5 = arith.constant 1792 : i32
    %add3A_6 = arith.addi %add3A_5, %mul3A_4 : i32
    %run_scoped3A = arith.constant 1 : i32
    "tpu.region"() ({
      %run_scoped3A_37 = tpu.sem_alloc : memref<!tpu.dma_semaphore, #tpu.memory_space<semaphore_mem>>
      %dma_start3A_38 = arith.constant 0 : i32
      %dma_start3A_39 = tpu.memref_slice %arg3[%run_scoped3A, %add3A_6, %dma_start3A_38] : memref<2x2560x128xi32, #tpu.memory_space<hbm>> -> memref<1x24x128xi32, #tpu.memory_space<hbm>>
      %dma_start3A_40 = tpu.memref_squeeze %dma_start3A_39 : memref<1x24x128xi32, #tpu.memory_space<hbm>> -> memref<24x128xi32, #tpu.memory_space<hbm>>
      %dma_start3A_41 = arith.constant 0 : i32
      %dma_start3A_42 = tpu.memref_slice %arg3[%run_scoped3A, %add3A_6, %dma_start3A_41] : memref<2x2560x128xi32, #tpu.memory_space<hbm>> -> memref<1x24x128xi32, #tpu.memory_space<hbm>>
      %dma_start3A_43 = tpu.memref_squeeze %dma_start3A_42 : memref<1x24x128xi32, #tpu.memory_space<hbm>> -> memref<24x128xi32, #tpu.memory_space<hbm>>
      tpu.enqueue_dma source(%dma_start3A_43 : memref<24x128xi32, #tpu.memory_space<hbm>>) target(%arg6 : memref<24x128xi32, #tpu.memory_space<vmem>>) target_semaphore(%run_scoped3A_37 : memref<!tpu.dma_semaphore, #tpu.memory_space<semaphore_mem>>)
      %dma_wait3A_44 = arith.constant 0 : i32
      %dma_wait3A_45 = tpu.memref_slice %arg3[%run_scoped3A, %add3A_6, %dma_wait3A_44] : memref<2x2560x128xi32, #tpu.memory_space<hbm>> -> memref<1x24x128xi32, #tpu.memory_space<hbm>>
      %dma_wait3A_46 = tpu.memref_squeeze %dma_wait3A_45 : memref<1x24x128xi32, #tpu.memory_space<hbm>> -> memref<24x128xi32, #tpu.memory_space<hbm>>
      %dma_wait3A_47 = arith.constant 0 : i32
      %dma_wait3A_48 = tpu.memref_slice %arg3[%run_scoped3A, %add3A_6, %dma_wait3A_47] : memref<2x2560x128xi32, #tpu.memory_space<hbm>> -> memref<1x24x128xi32, #tpu.memory_space<hbm>>
      %dma_wait3A_49 = tpu.memref_squeeze %dma_wait3A_48 : memref<1x24x128xi32, #tpu.memory_space<hbm>> -> memref<24x128xi32, #tpu.memory_space<hbm>>
      tpu.wait_dma2 semaphore(%run_scoped3A_37 : memref<!tpu.dma_semaphore, #tpu.memory_space<semaphore_mem>>) src(%dma_wait3A_49 : memref<24x128xi32, #tpu.memory_space<hbm>>) dst(%arg6 : memref<24x128xi32, #tpu.memory_space<vmem>>)
      tpu.yield
    }) : () -> ()
    %barrier3A = arith.constant 0 : index
    tpu.barrier barrier_id(%barrier3A)
    %mul3A_7 = arith.constant 3072 : i32
    %mul3A_8 = arith.muli %add3A, %mul3A_7 : i32
    %add3A_9 = arith.constant 0 : i32
    %add3A_10 = arith.addi %mul3A_8, %add3A_9 : i32
    %dma_start3A = arith.constant 0 : i32
    %dma_start3A_11 = tpu.memref_slice %arg2[%add3A_10, %dma_start3A] : memref<98304x128xf32, #tpu.memory_space<hbm>> -> memref<128x128xf32, #tpu.memory_space<hbm>>
    %dma_start3A_12 = arith.constant 0 : i32
    %dma_start3A_13 = tpu.memref_slice %arg2[%add3A_10, %dma_start3A_12] : memref<98304x128xf32, #tpu.memory_space<hbm>> -> memref<128x128xf32, #tpu.memory_space<hbm>>
    tpu.enqueue_dma source(%dma_start3A_13 : memref<128x128xf32, #tpu.memory_space<hbm>>) target(%arg7 : memref<128x128xf32, #tpu.memory_space<vmem>>) target_semaphore(%arg10 : memref<!tpu.dma_semaphore, #tpu.memory_space<semaphore_mem>>)
    %add3A_14 = arith.constant 128 : i32
    %add3A_15 = arith.addi %mul3A_8, %add3A_14 : i32
    %dma_start3A_16 = arith.constant 0 : i32
    %dma_start3A_17 = tpu.memref_slice %arg2[%add3A_15, %dma_start3A_16] : memref<98304x128xf32, #tpu.memory_space<hbm>> -> memref<128x128xf32, #tpu.memory_space<hbm>>
    %dma_start3A_18 = arith.constant 0 : i32
    %dma_start3A_19 = tpu.memref_slice %arg2[%add3A_15, %dma_start3A_18] : memref<98304x128xf32, #tpu.memory_space<hbm>> -> memref<128x128xf32, #tpu.memory_space<hbm>>
    tpu.enqueue_dma source(%dma_start3A_19 : memref<128x128xf32, #tpu.memory_space<hbm>>) target(%arg8 : memref<128x128xf32, #tpu.memory_space<vmem>>) target_semaphore(%arg11 : memref<!tpu.dma_semaphore, #tpu.memory_space<semaphore_mem>>)
    %scan3A = arith.constant 0 : i32
    %scan3A_20 = arith.constant 0 : i32
    %scan3A_21 = arith.constant 12 : i32
    %scan3A_22 = arith.addi %scan3A_20, %scan3A_21 : i32
    %scan3A_23 = arith.constant 1 : i32
    scf.for %scan3A_37 = %scan3A_20 to %scan3A_22 step %scan3A_23  : i32 {
      %mul3A_38 = arith.constant 2 : i32
      %mul3A_39 = arith.muli %scan3A_37, %mul3A_38 : i32
      %jit3A = arith.constant 24 : i32
      %eq3A = arith.constant 0 : i32
      %eq3A_40 = arith.cmpi eq, %jit3A, %eq3A : i32
      %jit3A_41 = arith.constant 1 : i32
      %select_n3A = arith.select %eq3A_40, %jit3A_41, %jit3A : i32
      %rem3A = arith.remsi %mul3A_39, %select_n3A : i32
      %ne3A = arith.constant 0 : i32
      %ne3A_42 = arith.cmpi ne, %rem3A, %ne3A : i32
      %lt3A = arith.constant 0 : i32
      %lt3A_43 = arith.cmpi slt, %rem3A, %lt3A : i32
      %lt3A_44 = arith.constant 0 : i32
      %lt3A_45 = arith.cmpi slt, %select_n3A, %lt3A_44 : i32
      %ne3A_46 = arith.xori %lt3A_43, %lt3A_45 : i1
      %and3A = arith.andi %ne3A_46, %ne3A_42 : i1
      %add3A_47 = arith.addi %rem3A, %select_n3A : i32
      %select_n3A_48 = arith.select %and3A, %add3A_47, %rem3A : i32
      %mul3A_49 = arith.constant 128 : i32
      %mul3A_50 = arith.muli %select_n3A_48, %mul3A_49 : i32
      %add3A_51 = arith.addi %mul3A_8, %mul3A_50 : i32
      %dma_wait3A_52 = arith.constant 0 : i32
      %dma_wait3A_53 = tpu.memref_slice %arg2[%add3A_51, %dma_wait3A_52] : memref<98304x128xf32, #tpu.memory_space<hbm>> -> memref<128x128xf32, #tpu.memory_space<hbm>>
      %dma_wait3A_54 = arith.constant 0 : i32
      %dma_wait3A_55 = tpu.memref_slice %arg2[%add3A_51, %dma_wait3A_54] : memref<98304x128xf32, #tpu.memory_space<hbm>> -> memref<128x128xf32, #tpu.memory_space<hbm>>
      tpu.wait_dma2 semaphore(%arg10 : memref<!tpu.dma_semaphore, #tpu.memory_space<semaphore_mem>>) src(%dma_wait3A_55 : memref<128x128xf32, #tpu.memory_space<hbm>>) dst(%arg7 : memref<128x128xf32, #tpu.memory_space<vmem>>)
      "tpu.region"() ({
        %run_scoped3A_133 = tpu.sem_alloc : memref<!tpu.dma_semaphore, #tpu.memory_space<semaphore_mem>>
        %dma_start3A_134 = arith.constant 0 : i32
        %dma_start3A_135 = tpu.memref_slice %arg6[%mul3A_39, %dma_start3A_134] : memref<24x128xi32, #tpu.memory_space<vmem>> -> memref<1x128xi32, #tpu.memory_space<vmem>>
        %dma_start3A_136 = tpu.memref_squeeze %dma_start3A_135 : memref<1x128xi32, #tpu.memory_space<vmem>> -> memref<128xi32, #tpu.memory_space<vmem>>
        %dma_start3A_137 = arith.constant 0 : i32
        %dma_start3A_138 = arith.constant 0 : i32
        %dma_start3A_139 = tpu.memref_slice %arg9[%dma_start3A_137, %dma_start3A_138] : memref<10112x128xf32, #tpu.memory_space<vmem_shared>> -> memref<10112x128xf32, #tpu.memory_space<vmem_shared>>
        tpu.enqueue_indirect_dma source(%arg7 : memref<128x128xf32, #tpu.memory_space<vmem>>) target(%dma_start3A_139 : memref<10112x128xf32, #tpu.memory_space<vmem_shared>>) offsets(%dma_start3A_136 : memref<128xi32, #tpu.memory_space<vmem>>) semaphore(%run_scoped3A_133 : memref<!tpu.dma_semaphore, #tpu.memory_space<semaphore_mem>>) {add = true}
        %dma_wait3A_140 = arith.constant 0 : i32
        %dma_wait3A_141 = tpu.memref_slice %arg6[%mul3A_39, %dma_wait3A_140] : memref<24x128xi32, #tpu.memory_space<vmem>> -> memref<1x128xi32, #tpu.memory_space<vmem>>
        %dma_wait3A_142 = tpu.memref_squeeze %dma_wait3A_141 : memref<1x128xi32, #tpu.memory_space<vmem>> -> memref<128xi32, #tpu.memory_space<vmem>>
        %dma_wait3A_143 = arith.constant 0 : i32
        %dma_wait3A_144 = arith.constant 0 : i32
        %dma_wait3A_145 = tpu.memref_slice %arg9[%dma_wait3A_143, %dma_wait3A_144] : memref<10112x128xf32, #tpu.memory_space<vmem_shared>> -> memref<10112x128xf32, #tpu.memory_space<vmem_shared>>
        tpu.wait_indirect_dma semaphore(%run_scoped3A_133 : memref<!tpu.dma_semaphore, #tpu.memory_space<semaphore_mem>>) src(%arg7 : memref<128x128xf32, #tpu.memory_space<vmem>>) dst(%dma_wait3A_145 : memref<10112x128xf32, #tpu.memory_space<vmem_shared>>)
        tpu.yield
      }) : () -> ()
      %add3A_56 = arith.constant 2 : i32
      %add3A_57 = arith.addi %mul3A_39, %add3A_56 : i32
      %jit3A_58 = arith.constant 24 : i32
      %eq3A_59 = arith.constant 0 : i32
      %eq3A_60 = arith.cmpi eq, %jit3A_58, %eq3A_59 : i32
      %jit3A_61 = arith.constant 1 : i32
      %select_n3A_62 = arith.select %eq3A_60, %jit3A_61, %jit3A_58 : i32
      %rem3A_63 = arith.remsi %add3A_57, %select_n3A_62 : i32
      %ne3A_64 = arith.constant 0 : i32
      %ne3A_65 = arith.cmpi ne, %rem3A_63, %ne3A_64 : i32
      %lt3A_66 = arith.constant 0 : i32
      %lt3A_67 = arith.cmpi slt, %rem3A_63, %lt3A_66 : i32
      %lt3A_68 = arith.constant 0 : i32
      %lt3A_69 = arith.cmpi slt, %select_n3A_62, %lt3A_68 : i32
      %ne3A_70 = arith.xori %lt3A_67, %lt3A_69 : i1
      %and3A_71 = arith.andi %ne3A_70, %ne3A_65 : i1
      %add3A_72 = arith.addi %rem3A_63, %select_n3A_62 : i32
      %select_n3A_73 = arith.select %and3A_71, %add3A_72, %rem3A_63 : i32
      %mul3A_74 = arith.constant 128 : i32
      %mul3A_75 = arith.muli %select_n3A_73, %mul3A_74 : i32
      %add3A_76 = arith.addi %mul3A_8, %mul3A_75 : i32
      %dma_start3A_77 = arith.constant 0 : i32
      %dma_start3A_78 = tpu.memref_slice %arg2[%add3A_76, %dma_start3A_77] : memref<98304x128xf32, #tpu.memory_space<hbm>> -> memref<128x128xf32, #tpu.memory_space<hbm>>
      %dma_start3A_79 = arith.constant 0 : i32
      %dma_start3A_80 = tpu.memref_slice %arg2[%add3A_76, %dma_start3A_79] : memref<98304x128xf32, #tpu.memory_space<hbm>> -> memref<128x128xf32, #tpu.memory_space<hbm>>
      tpu.enqueue_dma source(%dma_start3A_80 : memref<128x128xf32, #tpu.memory_space<hbm>>) target(%arg7 : memref<128x128xf32, #tpu.memory_space<vmem>>) target_semaphore(%arg10 : memref<!tpu.dma_semaphore, #tpu.memory_space<semaphore_mem>>)
      %add3A_81 = arith.constant 1 : i32
      %add3A_82 = arith.addi %mul3A_39, %add3A_81 : i32
      %jit3A_83 = arith.constant 24 : i32
      %eq3A_84 = arith.constant 0 : i32
      %eq3A_85 = arith.cmpi eq, %jit3A_83, %eq3A_84 : i32
      %jit3A_86 = arith.constant 1 : i32
      %select_n3A_87 = arith.select %eq3A_85, %jit3A_86, %jit3A_83 : i32
      %rem3A_88 = arith.remsi %add3A_82, %select_n3A_87 : i32
      %ne3A_89 = arith.constant 0 : i32
      %ne3A_90 = arith.cmpi ne, %rem3A_88, %ne3A_89 : i32
      %lt3A_91 = arith.constant 0 : i32
      %lt3A_92 = arith.cmpi slt, %rem3A_88, %lt3A_91 : i32
      %lt3A_93 = arith.constant 0 : i32
      %lt3A_94 = arith.cmpi slt, %select_n3A_87, %lt3A_93 : i32
      %ne3A_95 = arith.xori %lt3A_92, %lt3A_94 : i1
      %and3A_96 = arith.andi %ne3A_95, %ne3A_90 : i1
      %add3A_97 = arith.addi %rem3A_88, %select_n3A_87 : i32
      %select_n3A_98 = arith.select %and3A_96, %add3A_97, %rem3A_88 : i32
      %mul3A_99 = arith.constant 128 : i32
      %mul3A_100 = arith.muli %select_n3A_98, %mul3A_99 : i32
      %add3A_101 = arith.addi %mul3A_8, %mul3A_100 : i32
      %dma_wait3A_102 = arith.constant 0 : i32
      %dma_wait3A_103 = tpu.memref_slice %arg2[%add3A_101, %dma_wait3A_102] : memref<98304x128xf32, #tpu.memory_space<hbm>> -> memref<128x128xf32, #tpu.memory_space<hbm>>
      %dma_wait3A_104 = arith.constant 0 : i32
      %dma_wait3A_105 = tpu.memref_slice %arg2[%add3A_101, %dma_wait3A_104] : memref<98304x128xf32, #tpu.memory_space<hbm>> -> memref<128x128xf32, #tpu.memory_space<hbm>>
      tpu.wait_dma2 semaphore(%arg11 : memref<!tpu.dma_semaphore, #tpu.memory_space<semaphore_mem>>) src(%dma_wait3A_105 : memref<128x128xf32, #tpu.memory_space<hbm>>) dst(%arg8 : memref<128x128xf32, #tpu.memory_space<vmem>>)
      %add3A_106 = arith.constant 1 : i32
      %add3A_107 = arith.addi %mul3A_39, %add3A_106 : i32
      "tpu.region"() ({
        %run_scoped3A_133 = tpu.sem_alloc : memref<!tpu.dma_semaphore, #tpu.memory_space<semaphore_mem>>
        %dma_start3A_134 = arith.constant 0 : i32
        %dma_start3A_135 = tpu.memref_slice %arg6[%add3A_107, %dma_start3A_134] : memref<24x128xi32, #tpu.memory_space<vmem>> -> memref<1x128xi32, #tpu.memory_space<vmem>>
        %dma_start3A_136 = tpu.memref_squeeze %dma_start3A_135 : memref<1x128xi32, #tpu.memory_space<vmem>> -> memref<128xi32, #tpu.memory_space<vmem>>
        %dma_start3A_137 = arith.constant 0 : i32
        %dma_start3A_138 = arith.constant 0 : i32
        %dma_start3A_139 = tpu.memref_slice %arg9[%dma_start3A_137, %dma_start3A_138] : memref<10112x128xf32, #tpu.memory_space<vmem_shared>> -> memref<10112x128xf32, #tpu.memory_space<vmem_shared>>
        tpu.enqueue_indirect_dma source(%arg8 : memref<128x128xf32, #tpu.memory_space<vmem>>) target(%dma_start3A_139 : memref<10112x128xf32, #tpu.memory_space<vmem_shared>>) offsets(%dma_start3A_136 : memref<128xi32, #tpu.memory_space<vmem>>) semaphore(%run_scoped3A_133 : memref<!tpu.dma_semaphore, #tpu.memory_space<semaphore_mem>>) {add = true}
        %dma_wait3A_140 = arith.constant 0 : i32
        %dma_wait3A_141 = tpu.memref_slice %arg6[%add3A_107, %dma_wait3A_140] : memref<24x128xi32, #tpu.memory_space<vmem>> -> memref<1x128xi32, #tpu.memory_space<vmem>>
        %dma_wait3A_142 = tpu.memref_squeeze %dma_wait3A_141 : memref<1x128xi32, #tpu.memory_space<vmem>> -> memref<128xi32, #tpu.memory_space<vmem>>
        %dma_wait3A_143 = arith.constant 0 : i32
        %dma_wait3A_144 = arith.constant 0 : i32
        %dma_wait3A_145 = tpu.memref_slice %arg9[%dma_wait3A_143, %dma_wait3A_144] : memref<10112x128xf32, #tpu.memory_space<vmem_shared>> -> memref<10112x128xf32, #tpu.memory_space<vmem_shared>>
        tpu.wait_indirect_dma semaphore(%run_scoped3A_133 : memref<!tpu.dma_semaphore, #tpu.memory_space<semaphore_mem>>) src(%arg8 : memref<128x128xf32, #tpu.memory_space<vmem>>) dst(%dma_wait3A_145 : memref<10112x128xf32, #tpu.memory_space<vmem_shared>>)
        tpu.yield
      }) : () -> ()
      %add3A_108 = arith.constant 3 : i32
      %add3A_109 = arith.addi %mul3A_39, %add3A_108 : i32
      %jit3A_110 = arith.constant 24 : i32
      %eq3A_111 = arith.constant 0 : i32
      %eq3A_112 = arith.cmpi eq, %jit3A_110, %eq3A_111 : i32
      %jit3A_113 = arith.constant 1 : i32
      %select_n3A_114 = arith.select %eq3A_112, %jit3A_113, %jit3A_110 : i32
      %rem3A_115 = arith.remsi %add3A_109, %select_n3A_114 : i32
      %ne3A_116 = arith.constant 0 : i32
      %ne3A_117 = arith.cmpi ne, %rem3A_115, %ne3A_116 : i32
      %lt3A_118 = arith.constant 0 : i32
      %lt3A_119 = arith.cmpi slt, %rem3A_115, %lt3A_118 : i32
      %lt3A_120 = arith.constant 0 : i32
      %lt3A_121 = arith.cmpi slt, %select_n3A_114, %lt3A_120 : i32
      %ne3A_122 = arith.xori %lt3A_119, %lt3A_121 : i1
      %and3A_123 = arith.andi %ne3A_122, %ne3A_117 : i1
      %add3A_124 = arith.addi %rem3A_115, %select_n3A_114 : i32
      %select_n3A_125 = arith.select %and3A_123, %add3A_124, %rem3A_115 : i32
      %mul3A_126 = arith.constant 128 : i32
      %mul3A_127 = arith.muli %select_n3A_125, %mul3A_126 : i32
      %add3A_128 = arith.addi %mul3A_8, %mul3A_127 : i32
      %dma_start3A_129 = arith.constant 0 : i32
      %dma_start3A_130 = tpu.memref_slice %arg2[%add3A_128, %dma_start3A_129] : memref<98304x128xf32, #tpu.memory_space<hbm>> -> memref<128x128xf32, #tpu.memory_space<hbm>>
      %dma_start3A_131 = arith.constant 0 : i32
      %dma_start3A_132 = tpu.memref_slice %arg2[%add3A_128, %dma_start3A_131] : memref<98304x128xf32, #tpu.memory_space<hbm>> -> memref<128x128xf32, #tpu.memory_space<hbm>>
      tpu.enqueue_dma source(%dma_start3A_132 : memref<128x128xf32, #tpu.memory_space<hbm>>) target(%arg8 : memref<128x128xf32, #tpu.memory_space<vmem>>) target_semaphore(%arg11 : memref<!tpu.dma_semaphore, #tpu.memory_space<semaphore_mem>>)
    }
    %scan3A_24 = arith.constant 12 : i32
    %add3A_25 = arith.constant 0 : i32
    %add3A_26 = arith.addi %mul3A_8, %add3A_25 : i32
    %dma_wait3A = arith.constant 0 : i32
    %dma_wait3A_27 = tpu.memref_slice %arg2[%add3A_26, %dma_wait3A] : memref<98304x128xf32, #tpu.memory_space<hbm>> -> memref<128x128xf32, #tpu.memory_space<hbm>>
    %dma_wait3A_28 = arith.constant 0 : i32
    %dma_wait3A_29 = tpu.memref_slice %arg2[%add3A_26, %dma_wait3A_28] : memref<98304x128xf32, #tpu.memory_space<hbm>> -> memref<128x128xf32, #tpu.memory_space<hbm>>
    tpu.wait_dma2 semaphore(%arg10 : memref<!tpu.dma_semaphore, #tpu.memory_space<semaphore_mem>>) src(%dma_wait3A_29 : memref<128x128xf32, #tpu.memory_space<hbm>>) dst(%arg7 : memref<128x128xf32, #tpu.memory_space<vmem>>)
    %add3A_30 = arith.constant 128 : i32
    %add3A_31 = arith.addi %mul3A_8, %add3A_30 : i32
    %dma_wait3A_32 = arith.constant 0 : i32
    %dma_wait3A_33 = tpu.memref_slice %arg2[%add3A_31, %dma_wait3A_32] : memref<98304x128xf32, #tpu.memory_space<hbm>> -> memref<128x128xf32, #tpu.memory_space<hbm>>
    %dma_wait3A_34 = arith.constant 0 : i32
    %dma_wait3A_35 = tpu.memref_slice %arg2[%add3A_31, %dma_wait3A_34] : memref<98304x128xf32, #tpu.memory_space<hbm>> -> memref<128x128xf32, #tpu.memory_space<hbm>>
    tpu.wait_dma2 semaphore(%arg11 : memref<!tpu.dma_semaphore, #tpu.memory_space<semaphore_mem>>) src(%dma_wait3A_35 : memref<128x128xf32, #tpu.memory_space<hbm>>) dst(%arg8 : memref<128x128xf32, #tpu.memory_space<vmem>>)
    %barrier3A_36 = arith.constant 0 : index
    tpu.barrier barrier_id(%barrier3A_36)
    "tpu.region"() ({
      %run_scoped3A_37 = tpu.sem_alloc : memref<!tpu.dma_semaphore, #tpu.memory_space<semaphore_mem>>
      %dma_start3A_38 = arith.constant 0 : i32
      %dma_start3A_39 = tpu.memref_slice %arg5[%arg0, %mul3A_2, %dma_start3A_38] : memref<2x10112x128xf32, #tpu.memory_space<hbm>> -> memref<1x632x128xf32, #tpu.memory_space<hbm>>
      %dma_start3A_40 = tpu.memref_squeeze %dma_start3A_39 : memref<1x632x128xf32, #tpu.memory_space<hbm>> -> memref<632x128xf32, #tpu.memory_space<hbm>>
      %dma_start3A_41 = arith.constant 0 : i32
      %dma_start3A_42 = tpu.memref_slice %arg9[%mul3A_2, %dma_start3A_41] : memref<10112x128xf32, #tpu.memory_space<vmem_shared>> -> memref<632x128xf32, #tpu.memory_space<vmem_shared>>
      tpu.enqueue_dma source(%dma_start3A_42 : memref<632x128xf32, #tpu.memory_space<vmem_shared>>) target(%dma_start3A_40 : memref<632x128xf32, #tpu.memory_space<hbm>>) target_semaphore(%run_scoped3A_37 : memref<!tpu.dma_semaphore, #tpu.memory_space<semaphore_mem>>)
      %dma_wait3A_43 = arith.constant 0 : i32
      %dma_wait3A_44 = tpu.memref_slice %arg5[%arg0, %mul3A_2, %dma_wait3A_43] : memref<2x10112x128xf32, #tpu.memory_space<hbm>> -> memref<1x632x128xf32, #tpu.memory_space<hbm>>
      %dma_wait3A_45 = tpu.memref_squeeze %dma_wait3A_44 : memref<1x632x128xf32, #tpu.memory_space<hbm>> -> memref<632x128xf32, #tpu.memory_space<hbm>>
      %dma_wait3A_46 = arith.constant 0 : i32
      %dma_wait3A_47 = tpu.memref_slice %arg9[%mul3A_2, %dma_wait3A_46] : memref<10112x128xf32, #tpu.memory_space<vmem_shared>> -> memref<632x128xf32, #tpu.memory_space<vmem_shared>>
      tpu.wait_dma2 semaphore(%run_scoped3A_37 : memref<!tpu.dma_semaphore, #tpu.memory_space<semaphore_mem>>) src(%dma_wait3A_47 : memref<632x128xf32, #tpu.memory_space<vmem_shared>>) dst(%dma_wait3A_45 : memref<632x128xf32, #tpu.memory_space<hbm>>)
      tpu.yield
    }) : () -> ()
    return
  }
}

#map = affine_map<(d0, d1) -> (0, 0)>
#map1 = affine_map<(d0, d1) -> (0, 0, 0)>
module attributes {stable_mosaic.version = 14 : i64} {
  func.func @_scatter_body(%arg0: i32, %arg1: i32, %arg2: memref<98304x128xf32, #tpu.memory_space<hbm>>, %arg3: memref<2x2560x128xi32, #tpu.memory_space<hbm>>, %arg4: memref<2x10112x128xf32, #tpu.memory_space<hbm>>, %arg5: memref<2x10112x128xf32, #tpu.memory_space<hbm>>, %arg6: memref<24x128xi32, #tpu.memory_space<vmem>>, %arg7: memref<128x128xf32, #tpu.memory_space<vmem>>, %arg8: memref<128x128xf32, #tpu.memory_space<vmem>>, %arg9: memref<10112x128xf32, #tpu.memory_space<vmem_shared>>, %arg10: memref<!tpu.dma_semaphore, #tpu.memory_space<semaphore_mem>>, %arg11: memref<!tpu.dma_semaphore, #tpu.memory_space<semaphore_mem>>) attributes {dimension_semantics = [#tpu.dimension_semantics<core_parallel>, #tpu.dimension_semantics<subcore_parallel>], iteration_bounds = array<i64: 2, 16>, scalar_prefetch = 0 : i64, scratch_operands = 6 : i64, tpu.core_type = #tpu.core_type<sc_vector_subcore>, window_params = [{transform_indices = #map}, {transform_indices = #map1}, {transform_indices = #map1}, {transform_indices = #map1}]} {
    %mul3A = arith.constant 16 : i32
    %mul3A_0 = arith.muli %arg0, %mul3A : i32
    %add3A = arith.addi %mul3A_0, %arg1 : i32
    %mul3A_1 = arith.constant 632 : i32
    %mul3A_2 = arith.muli %arg1, %mul3A_1 : i32
    "tpu.region"() ({
      %run_scoped3A_37 = tpu.sem_alloc : memref<!tpu.dma_semaphore, #tpu.memory_space<semaphore_mem>>
      %dma_start3A_38 = arith.constant 0 : i32
      %dma_start3A_39 = tpu.memref_slice %arg9[%mul3A_2, %dma_start3A_38] : memref<10112x128xf32, #tpu.memory_space<vmem_shared>> -> memref<632x128xf32, #tpu.memory_space<vmem_shared>>
      %dma_start3A_40 = arith.constant 0 : i32
      %dma_start3A_41 = tpu.memref_slice %arg4[%arg0, %mul3A_2, %dma_start3A_40] : memref<2x10112x128xf32, #tpu.memory_space<hbm>> -> memref<1x632x128xf32, #tpu.memory_space<hbm>>
      %dma_start3A_42 = tpu.memref_squeeze %dma_start3A_41 : memref<1x632x128xf32, #tpu.memory_space<hbm>> -> memref<632x128xf32, #tpu.memory_space<hbm>>
      tpu.enqueue_dma source(%dma_start3A_42 : memref<632x128xf32, #tpu.memory_space<hbm>>) target(%dma_start3A_39 : memref<632x128xf32, #tpu.memory_space<vmem_shared>>) target_semaphore(%run_scoped3A_37 : memref<!tpu.dma_semaphore, #tpu.memory_space<semaphore_mem>>)
      %dma_wait3A_43 = arith.constant 0 : i32
      %dma_wait3A_44 = tpu.memref_slice %arg9[%mul3A_2, %dma_wait3A_43] : memref<10112x128xf32, #tpu.memory_space<vmem_shared>> -> memref<632x128xf32, #tpu.memory_space<vmem_shared>>
      %dma_wait3A_45 = arith.constant 0 : i32
      %dma_wait3A_46 = tpu.memref_slice %arg4[%arg0, %mul3A_2, %dma_wait3A_45] : memref<2x10112x128xf32, #tpu.memory_space<hbm>> -> memref<1x632x128xf32, #tpu.memory_space<hbm>>
      %dma_wait3A_47 = tpu.memref_squeeze %dma_wait3A_46 : memref<1x632x128xf32, #tpu.memory_space<hbm>> -> memref<632x128xf32, #tpu.memory_space<hbm>>
      tpu.wait_dma2 semaphore(%run_scoped3A_37 : memref<!tpu.dma_semaphore, #tpu.memory_space<semaphore_mem>>) src(%dma_wait3A_47 : memref<632x128xf32, #tpu.memory_space<hbm>>) dst(%dma_wait3A_44 : memref<632x128xf32, #tpu.memory_space<vmem_shared>>)
      tpu.yield
    }) : () -> ()
    %mul3A_3 = arith.constant 24 : i32
    %mul3A_4 = arith.muli %add3A, %mul3A_3 : i32
    %add3A_5 = arith.constant 256 : i32
    %add3A_6 = arith.addi %add3A_5, %mul3A_4 : i32
    %run_scoped3A = arith.constant 1 : i32
    "tpu.region"() ({
      %run_scoped3A_37 = tpu.sem_alloc : memref<!tpu.dma_semaphore, #tpu.memory_space<semaphore_mem>>
      %dma_start3A_38 = arith.constant 0 : i32
      %dma_start3A_39 = tpu.memref_slice %arg3[%run_scoped3A, %add3A_6, %dma_start3A_38] : memref<2x2560x128xi32, #tpu.memory_space<hbm>> -> memref<1x24x128xi32, #tpu.memory_space<hbm>>
      %dma_start3A_40 = tpu.memref_squeeze %dma_start3A_39 : memref<1x24x128xi32, #tpu.memory_space<hbm>> -> memref<24x128xi32, #tpu.memory_space<hbm>>
      %dma_start3A_41 = arith.constant 0 : i32
      %dma_start3A_42 = tpu.memref_slice %arg3[%run_scoped3A, %add3A_6, %dma_start3A_41] : memref<2x2560x128xi32, #tpu.memory_space<hbm>> -> memref<1x24x128xi32, #tpu.memory_space<hbm>>
      %dma_start3A_43 = tpu.memref_squeeze %dma_start3A_42 : memref<1x24x128xi32, #tpu.memory_space<hbm>> -> memref<24x128xi32, #tpu.memory_space<hbm>>
      tpu.enqueue_dma source(%dma_start3A_43 : memref<24x128xi32, #tpu.memory_space<hbm>>) target(%arg6 : memref<24x128xi32, #tpu.memory_space<vmem>>) target_semaphore(%run_scoped3A_37 : memref<!tpu.dma_semaphore, #tpu.memory_space<semaphore_mem>>)
      %dma_wait3A_44 = arith.constant 0 : i32
      %dma_wait3A_45 = tpu.memref_slice %arg3[%run_scoped3A, %add3A_6, %dma_wait3A_44] : memref<2x2560x128xi32, #tpu.memory_space<hbm>> -> memref<1x24x128xi32, #tpu.memory_space<hbm>>
      %dma_wait3A_46 = tpu.memref_squeeze %dma_wait3A_45 : memref<1x24x128xi32, #tpu.memory_space<hbm>> -> memref<24x128xi32, #tpu.memory_space<hbm>>
      %dma_wait3A_47 = arith.constant 0 : i32
      %dma_wait3A_48 = tpu.memref_slice %arg3[%run_scoped3A, %add3A_6, %dma_wait3A_47] : memref<2x2560x128xi32, #tpu.memory_space<hbm>> -> memref<1x24x128xi32, #tpu.memory_space<hbm>>
      %dma_wait3A_49 = tpu.memref_squeeze %dma_wait3A_48 : memref<1x24x128xi32, #tpu.memory_space<hbm>> -> memref<24x128xi32, #tpu.memory_space<hbm>>
      tpu.wait_dma2 semaphore(%run_scoped3A_37 : memref<!tpu.dma_semaphore, #tpu.memory_space<semaphore_mem>>) src(%dma_wait3A_49 : memref<24x128xi32, #tpu.memory_space<hbm>>) dst(%arg6 : memref<24x128xi32, #tpu.memory_space<vmem>>)
      tpu.yield
    }) : () -> ()
    %barrier3A = arith.constant 0 : index
    tpu.barrier barrier_id(%barrier3A)
    %mul3A_7 = arith.constant 3072 : i32
    %mul3A_8 = arith.muli %add3A, %mul3A_7 : i32
    %add3A_9 = arith.constant 0 : i32
    %add3A_10 = arith.addi %mul3A_8, %add3A_9 : i32
    %dma_start3A = arith.constant 0 : i32
    %dma_start3A_11 = tpu.memref_slice %arg2[%add3A_10, %dma_start3A] : memref<98304x128xf32, #tpu.memory_space<hbm>> -> memref<128x128xf32, #tpu.memory_space<hbm>>
    %dma_start3A_12 = arith.constant 0 : i32
    %dma_start3A_13 = tpu.memref_slice %arg2[%add3A_10, %dma_start3A_12] : memref<98304x128xf32, #tpu.memory_space<hbm>> -> memref<128x128xf32, #tpu.memory_space<hbm>>
    tpu.enqueue_dma source(%dma_start3A_13 : memref<128x128xf32, #tpu.memory_space<hbm>>) target(%arg7 : memref<128x128xf32, #tpu.memory_space<vmem>>) target_semaphore(%arg10 : memref<!tpu.dma_semaphore, #tpu.memory_space<semaphore_mem>>)
    %add3A_14 = arith.constant 128 : i32
    %add3A_15 = arith.addi %mul3A_8, %add3A_14 : i32
    %dma_start3A_16 = arith.constant 0 : i32
    %dma_start3A_17 = tpu.memref_slice %arg2[%add3A_15, %dma_start3A_16] : memref<98304x128xf32, #tpu.memory_space<hbm>> -> memref<128x128xf32, #tpu.memory_space<hbm>>
    %dma_start3A_18 = arith.constant 0 : i32
    %dma_start3A_19 = tpu.memref_slice %arg2[%add3A_15, %dma_start3A_18] : memref<98304x128xf32, #tpu.memory_space<hbm>> -> memref<128x128xf32, #tpu.memory_space<hbm>>
    tpu.enqueue_dma source(%dma_start3A_19 : memref<128x128xf32, #tpu.memory_space<hbm>>) target(%arg8 : memref<128x128xf32, #tpu.memory_space<vmem>>) target_semaphore(%arg11 : memref<!tpu.dma_semaphore, #tpu.memory_space<semaphore_mem>>)
    %scan3A = arith.constant 0 : i32
    %scan3A_20 = arith.constant 0 : i32
    %scan3A_21 = arith.constant 12 : i32
    %scan3A_22 = arith.addi %scan3A_20, %scan3A_21 : i32
    %scan3A_23 = arith.constant 1 : i32
    scf.for %scan3A_37 = %scan3A_20 to %scan3A_22 step %scan3A_23  : i32 {
      %mul3A_38 = arith.constant 2 : i32
      %mul3A_39 = arith.muli %scan3A_37, %mul3A_38 : i32
      %jit3A = arith.constant 24 : i32
      %eq3A = arith.constant 0 : i32
      %eq3A_40 = arith.cmpi eq, %jit3A, %eq3A : i32
      %jit3A_41 = arith.constant 1 : i32
      %select_n3A = arith.select %eq3A_40, %jit3A_41, %jit3A : i32
      %rem3A = arith.remsi %mul3A_39, %select_n3A : i32
      %ne3A = arith.constant 0 : i32
      %ne3A_42 = arith.cmpi ne, %rem3A, %ne3A : i32
      %lt3A = arith.constant 0 : i32
      %lt3A_43 = arith.cmpi slt, %rem3A, %lt3A : i32
      %lt3A_44 = arith.constant 0 : i32
      %lt3A_45 = arith.cmpi slt, %select_n3A, %lt3A_44 : i32
      %ne3A_46 = arith.xori %lt3A_43, %lt3A_45 : i1
      %and3A = arith.andi %ne3A_46, %ne3A_42 : i1
      %add3A_47 = arith.addi %rem3A, %select_n3A : i32
      %select_n3A_48 = arith.select %and3A, %add3A_47, %rem3A : i32
      %mul3A_49 = arith.constant 128 : i32
      %mul3A_50 = arith.muli %select_n3A_48, %mul3A_49 : i32
      %add3A_51 = arith.addi %mul3A_8, %mul3A_50 : i32
      %dma_wait3A_52 = arith.constant 0 : i32
      %dma_wait3A_53 = tpu.memref_slice %arg2[%add3A_51, %dma_wait3A_52] : memref<98304x128xf32, #tpu.memory_space<hbm>> -> memref<128x128xf32, #tpu.memory_space<hbm>>
      %dma_wait3A_54 = arith.constant 0 : i32
      %dma_wait3A_55 = tpu.memref_slice %arg2[%add3A_51, %dma_wait3A_54] : memref<98304x128xf32, #tpu.memory_space<hbm>> -> memref<128x128xf32, #tpu.memory_space<hbm>>
      tpu.wait_dma2 semaphore(%arg10 : memref<!tpu.dma_semaphore, #tpu.memory_space<semaphore_mem>>) src(%dma_wait3A_55 : memref<128x128xf32, #tpu.memory_space<hbm>>) dst(%arg7 : memref<128x128xf32, #tpu.memory_space<vmem>>)
      "tpu.region"() ({
        %run_scoped3A_133 = tpu.sem_alloc : memref<!tpu.dma_semaphore, #tpu.memory_space<semaphore_mem>>
        %dma_start3A_134 = arith.constant 0 : i32
        %dma_start3A_135 = tpu.memref_slice %arg6[%mul3A_39, %dma_start3A_134] : memref<24x128xi32, #tpu.memory_space<vmem>> -> memref<1x128xi32, #tpu.memory_space<vmem>>
        %dma_start3A_136 = tpu.memref_squeeze %dma_start3A_135 : memref<1x128xi32, #tpu.memory_space<vmem>> -> memref<128xi32, #tpu.memory_space<vmem>>
        %dma_start3A_137 = arith.constant 0 : i32
        %dma_start3A_138 = arith.constant 0 : i32
        %dma_start3A_139 = tpu.memref_slice %arg9[%dma_start3A_137, %dma_start3A_138] : memref<10112x128xf32, #tpu.memory_space<vmem_shared>> -> memref<10112x128xf32, #tpu.memory_space<vmem_shared>>
        tpu.enqueue_indirect_dma source(%arg7 : memref<128x128xf32, #tpu.memory_space<vmem>>) target(%dma_start3A_139 : memref<10112x128xf32, #tpu.memory_space<vmem_shared>>) offsets(%dma_start3A_136 : memref<128xi32, #tpu.memory_space<vmem>>) semaphore(%run_scoped3A_133 : memref<!tpu.dma_semaphore, #tpu.memory_space<semaphore_mem>>) {add = true}
        %dma_wait3A_140 = arith.constant 0 : i32
        %dma_wait3A_141 = tpu.memref_slice %arg6[%mul3A_39, %dma_wait3A_140] : memref<24x128xi32, #tpu.memory_space<vmem>> -> memref<1x128xi32, #tpu.memory_space<vmem>>
        %dma_wait3A_142 = tpu.memref_squeeze %dma_wait3A_141 : memref<1x128xi32, #tpu.memory_space<vmem>> -> memref<128xi32, #tpu.memory_space<vmem>>
        %dma_wait3A_143 = arith.constant 0 : i32
        %dma_wait3A_144 = arith.constant 0 : i32
        %dma_wait3A_145 = tpu.memref_slice %arg9[%dma_wait3A_143, %dma_wait3A_144] : memref<10112x128xf32, #tpu.memory_space<vmem_shared>> -> memref<10112x128xf32, #tpu.memory_space<vmem_shared>>
        tpu.wait_indirect_dma semaphore(%run_scoped3A_133 : memref<!tpu.dma_semaphore, #tpu.memory_space<semaphore_mem>>) src(%arg7 : memref<128x128xf32, #tpu.memory_space<vmem>>) dst(%dma_wait3A_145 : memref<10112x128xf32, #tpu.memory_space<vmem_shared>>)
        tpu.yield
      }) : () -> ()
      %add3A_56 = arith.constant 2 : i32
      %add3A_57 = arith.addi %mul3A_39, %add3A_56 : i32
      %jit3A_58 = arith.constant 24 : i32
      %eq3A_59 = arith.constant 0 : i32
      %eq3A_60 = arith.cmpi eq, %jit3A_58, %eq3A_59 : i32
      %jit3A_61 = arith.constant 1 : i32
      %select_n3A_62 = arith.select %eq3A_60, %jit3A_61, %jit3A_58 : i32
      %rem3A_63 = arith.remsi %add3A_57, %select_n3A_62 : i32
      %ne3A_64 = arith.constant 0 : i32
      %ne3A_65 = arith.cmpi ne, %rem3A_63, %ne3A_64 : i32
      %lt3A_66 = arith.constant 0 : i32
      %lt3A_67 = arith.cmpi slt, %rem3A_63, %lt3A_66 : i32
      %lt3A_68 = arith.constant 0 : i32
      %lt3A_69 = arith.cmpi slt, %select_n3A_62, %lt3A_68 : i32
      %ne3A_70 = arith.xori %lt3A_67, %lt3A_69 : i1
      %and3A_71 = arith.andi %ne3A_70, %ne3A_65 : i1
      %add3A_72 = arith.addi %rem3A_63, %select_n3A_62 : i32
      %select_n3A_73 = arith.select %and3A_71, %add3A_72, %rem3A_63 : i32
      %mul3A_74 = arith.constant 128 : i32
      %mul3A_75 = arith.muli %select_n3A_73, %mul3A_74 : i32
      %add3A_76 = arith.addi %mul3A_8, %mul3A_75 : i32
      %dma_start3A_77 = arith.constant 0 : i32
      %dma_start3A_78 = tpu.memref_slice %arg2[%add3A_76, %dma_start3A_77] : memref<98304x128xf32, #tpu.memory_space<hbm>> -> memref<128x128xf32, #tpu.memory_space<hbm>>
      %dma_start3A_79 = arith.constant 0 : i32
      %dma_start3A_80 = tpu.memref_slice %arg2[%add3A_76, %dma_start3A_79] : memref<98304x128xf32, #tpu.memory_space<hbm>> -> memref<128x128xf32, #tpu.memory_space<hbm>>
      tpu.enqueue_dma source(%dma_start3A_80 : memref<128x128xf32, #tpu.memory_space<hbm>>) target(%arg7 : memref<128x128xf32, #tpu.memory_space<vmem>>) target_semaphore(%arg10 : memref<!tpu.dma_semaphore, #tpu.memory_space<semaphore_mem>>)
      %add3A_81 = arith.constant 1 : i32
      %add3A_82 = arith.addi %mul3A_39, %add3A_81 : i32
      %jit3A_83 = arith.constant 24 : i32
      %eq3A_84 = arith.constant 0 : i32
      %eq3A_85 = arith.cmpi eq, %jit3A_83, %eq3A_84 : i32
      %jit3A_86 = arith.constant 1 : i32
      %select_n3A_87 = arith.select %eq3A_85, %jit3A_86, %jit3A_83 : i32
      %rem3A_88 = arith.remsi %add3A_82, %select_n3A_87 : i32
      %ne3A_89 = arith.constant 0 : i32
      %ne3A_90 = arith.cmpi ne, %rem3A_88, %ne3A_89 : i32
      %lt3A_91 = arith.constant 0 : i32
      %lt3A_92 = arith.cmpi slt, %rem3A_88, %lt3A_91 : i32
      %lt3A_93 = arith.constant 0 : i32
      %lt3A_94 = arith.cmpi slt, %select_n3A_87, %lt3A_93 : i32
      %ne3A_95 = arith.xori %lt3A_92, %lt3A_94 : i1
      %and3A_96 = arith.andi %ne3A_95, %ne3A_90 : i1
      %add3A_97 = arith.addi %rem3A_88, %select_n3A_87 : i32
      %select_n3A_98 = arith.select %and3A_96, %add3A_97, %rem3A_88 : i32
      %mul3A_99 = arith.constant 128 : i32
      %mul3A_100 = arith.muli %select_n3A_98, %mul3A_99 : i32
      %add3A_101 = arith.addi %mul3A_8, %mul3A_100 : i32
      %dma_wait3A_102 = arith.constant 0 : i32
      %dma_wait3A_103 = tpu.memref_slice %arg2[%add3A_101, %dma_wait3A_102] : memref<98304x128xf32, #tpu.memory_space<hbm>> -> memref<128x128xf32, #tpu.memory_space<hbm>>
      %dma_wait3A_104 = arith.constant 0 : i32
      %dma_wait3A_105 = tpu.memref_slice %arg2[%add3A_101, %dma_wait3A_104] : memref<98304x128xf32, #tpu.memory_space<hbm>> -> memref<128x128xf32, #tpu.memory_space<hbm>>
      tpu.wait_dma2 semaphore(%arg11 : memref<!tpu.dma_semaphore, #tpu.memory_space<semaphore_mem>>) src(%dma_wait3A_105 : memref<128x128xf32, #tpu.memory_space<hbm>>) dst(%arg8 : memref<128x128xf32, #tpu.memory_space<vmem>>)
      %add3A_106 = arith.constant 1 : i32
      %add3A_107 = arith.addi %mul3A_39, %add3A_106 : i32
      "tpu.region"() ({
        %run_scoped3A_133 = tpu.sem_alloc : memref<!tpu.dma_semaphore, #tpu.memory_space<semaphore_mem>>
        %dma_start3A_134 = arith.constant 0 : i32
        %dma_start3A_135 = tpu.memref_slice %arg6[%add3A_107, %dma_start3A_134] : memref<24x128xi32, #tpu.memory_space<vmem>> -> memref<1x128xi32, #tpu.memory_space<vmem>>
        %dma_start3A_136 = tpu.memref_squeeze %dma_start3A_135 : memref<1x128xi32, #tpu.memory_space<vmem>> -> memref<128xi32, #tpu.memory_space<vmem>>
        %dma_start3A_137 = arith.constant 0 : i32
        %dma_start3A_138 = arith.constant 0 : i32
        %dma_start3A_139 = tpu.memref_slice %arg9[%dma_start3A_137, %dma_start3A_138] : memref<10112x128xf32, #tpu.memory_space<vmem_shared>> -> memref<10112x128xf32, #tpu.memory_space<vmem_shared>>
        tpu.enqueue_indirect_dma source(%arg8 : memref<128x128xf32, #tpu.memory_space<vmem>>) target(%dma_start3A_139 : memref<10112x128xf32, #tpu.memory_space<vmem_shared>>) offsets(%dma_start3A_136 : memref<128xi32, #tpu.memory_space<vmem>>) semaphore(%run_scoped3A_133 : memref<!tpu.dma_semaphore, #tpu.memory_space<semaphore_mem>>) {add = true}
        %dma_wait3A_140 = arith.constant 0 : i32
        %dma_wait3A_141 = tpu.memref_slice %arg6[%add3A_107, %dma_wait3A_140] : memref<24x128xi32, #tpu.memory_space<vmem>> -> memref<1x128xi32, #tpu.memory_space<vmem>>
        %dma_wait3A_142 = tpu.memref_squeeze %dma_wait3A_141 : memref<1x128xi32, #tpu.memory_space<vmem>> -> memref<128xi32, #tpu.memory_space<vmem>>
        %dma_wait3A_143 = arith.constant 0 : i32
        %dma_wait3A_144 = arith.constant 0 : i32
        %dma_wait3A_145 = tpu.memref_slice %arg9[%dma_wait3A_143, %dma_wait3A_144] : memref<10112x128xf32, #tpu.memory_space<vmem_shared>> -> memref<10112x128xf32, #tpu.memory_space<vmem_shared>>
        tpu.wait_indirect_dma semaphore(%run_scoped3A_133 : memref<!tpu.dma_semaphore, #tpu.memory_space<semaphore_mem>>) src(%arg8 : memref<128x128xf32, #tpu.memory_space<vmem>>) dst(%dma_wait3A_145 : memref<10112x128xf32, #tpu.memory_space<vmem_shared>>)
        tpu.yield
      }) : () -> ()
      %add3A_108 = arith.constant 3 : i32
      %add3A_109 = arith.addi %mul3A_39, %add3A_108 : i32
      %jit3A_110 = arith.constant 24 : i32
      %eq3A_111 = arith.constant 0 : i32
      %eq3A_112 = arith.cmpi eq, %jit3A_110, %eq3A_111 : i32
      %jit3A_113 = arith.constant 1 : i32
      %select_n3A_114 = arith.select %eq3A_112, %jit3A_113, %jit3A_110 : i32
      %rem3A_115 = arith.remsi %add3A_109, %select_n3A_114 : i32
      %ne3A_116 = arith.constant 0 : i32
      %ne3A_117 = arith.cmpi ne, %rem3A_115, %ne3A_116 : i32
      %lt3A_118 = arith.constant 0 : i32
      %lt3A_119 = arith.cmpi slt, %rem3A_115, %lt3A_118 : i32
      %lt3A_120 = arith.constant 0 : i32
      %lt3A_121 = arith.cmpi slt, %select_n3A_114, %lt3A_120 : i32
      %ne3A_122 = arith.xori %lt3A_119, %lt3A_121 : i1
      %and3A_123 = arith.andi %ne3A_122, %ne3A_117 : i1
      %add3A_124 = arith.addi %rem3A_115, %select_n3A_114 : i32
      %select_n3A_125 = arith.select %and3A_123, %add3A_124, %rem3A_115 : i32
      %mul3A_126 = arith.constant 128 : i32
      %mul3A_127 = arith.muli %select_n3A_125, %mul3A_126 : i32
      %add3A_128 = arith.addi %mul3A_8, %mul3A_127 : i32
      %dma_start3A_129 = arith.constant 0 : i32
      %dma_start3A_130 = tpu.memref_slice %arg2[%add3A_128, %dma_start3A_129] : memref<98304x128xf32, #tpu.memory_space<hbm>> -> memref<128x128xf32, #tpu.memory_space<hbm>>
      %dma_start3A_131 = arith.constant 0 : i32
      %dma_start3A_132 = tpu.memref_slice %arg2[%add3A_128, %dma_start3A_131] : memref<98304x128xf32, #tpu.memory_space<hbm>> -> memref<128x128xf32, #tpu.memory_space<hbm>>
      tpu.enqueue_dma source(%dma_start3A_132 : memref<128x128xf32, #tpu.memory_space<hbm>>) target(%arg8 : memref<128x128xf32, #tpu.memory_space<vmem>>) target_semaphore(%arg11 : memref<!tpu.dma_semaphore, #tpu.memory_space<semaphore_mem>>)
    }
    %scan3A_24 = arith.constant 12 : i32
    %add3A_25 = arith.constant 0 : i32
    %add3A_26 = arith.addi %mul3A_8, %add3A_25 : i32
    %dma_wait3A = arith.constant 0 : i32
    %dma_wait3A_27 = tpu.memref_slice %arg2[%add3A_26, %dma_wait3A] : memref<98304x128xf32, #tpu.memory_space<hbm>> -> memref<128x128xf32, #tpu.memory_space<hbm>>
    %dma_wait3A_28 = arith.constant 0 : i32
    %dma_wait3A_29 = tpu.memref_slice %arg2[%add3A_26, %dma_wait3A_28] : memref<98304x128xf32, #tpu.memory_space<hbm>> -> memref<128x128xf32, #tpu.memory_space<hbm>>
    tpu.wait_dma2 semaphore(%arg10 : memref<!tpu.dma_semaphore, #tpu.memory_space<semaphore_mem>>) src(%dma_wait3A_29 : memref<128x128xf32, #tpu.memory_space<hbm>>) dst(%arg7 : memref<128x128xf32, #tpu.memory_space<vmem>>)
    %add3A_30 = arith.constant 128 : i32
    %add3A_31 = arith.addi %mul3A_8, %add3A_30 : i32
    %dma_wait3A_32 = arith.constant 0 : i32
    %dma_wait3A_33 = tpu.memref_slice %arg2[%add3A_31, %dma_wait3A_32] : memref<98304x128xf32, #tpu.memory_space<hbm>> -> memref<128x128xf32, #tpu.memory_space<hbm>>
    %dma_wait3A_34 = arith.constant 0 : i32
    %dma_wait3A_35 = tpu.memref_slice %arg2[%add3A_31, %dma_wait3A_34] : memref<98304x128xf32, #tpu.memory_space<hbm>> -> memref<128x128xf32, #tpu.memory_space<hbm>>
    tpu.wait_dma2 semaphore(%arg11 : memref<!tpu.dma_semaphore, #tpu.memory_space<semaphore_mem>>) src(%dma_wait3A_35 : memref<128x128xf32, #tpu.memory_space<hbm>>) dst(%arg8 : memref<128x128xf32, #tpu.memory_space<vmem>>)
    %barrier3A_36 = arith.constant 0 : index
    tpu.barrier barrier_id(%barrier3A_36)
    "tpu.region"() ({
      %run_scoped3A_37 = tpu.sem_alloc : memref<!tpu.dma_semaphore, #tpu.memory_space<semaphore_mem>>
      %dma_start3A_38 = arith.constant 0 : i32
      %dma_start3A_39 = tpu.memref_slice %arg5[%arg0, %mul3A_2, %dma_start3A_38] : memref<2x10112x128xf32, #tpu.memory_space<hbm>> -> memref<1x632x128xf32, #tpu.memory_space<hbm>>
      %dma_start3A_40 = tpu.memref_squeeze %dma_start3A_39 : memref<1x632x128xf32, #tpu.memory_space<hbm>> -> memref<632x128xf32, #tpu.memory_space<hbm>>
      %dma_start3A_41 = arith.constant 0 : i32
      %dma_start3A_42 = tpu.memref_slice %arg9[%mul3A_2, %dma_start3A_41] : memref<10112x128xf32, #tpu.memory_space<vmem_shared>> -> memref<632x128xf32, #tpu.memory_space<vmem_shared>>
      tpu.enqueue_dma source(%dma_start3A_42 : memref<632x128xf32, #tpu.memory_space<vmem_shared>>) target(%dma_start3A_40 : memref<632x128xf32, #tpu.memory_space<hbm>>) target_semaphore(%run_scoped3A_37 : memref<!tpu.dma_semaphore, #tpu.memory_space<semaphore_mem>>)
      %dma_wait3A_43 = arith.constant 0 : i32
      %dma_wait3A_44 = tpu.memref_slice %arg5[%arg0, %mul3A_2, %dma_wait3A_43] : memref<2x10112x128xf32, #tpu.memory_space<hbm>> -> memref<1x632x128xf32, #tpu.memory_space<hbm>>
      %dma_wait3A_45 = tpu.memref_squeeze %dma_wait3A_44 : memref<1x632x128xf32, #tpu.memory_space<hbm>> -> memref<632x128xf32, #tpu.memory_space<hbm>>
      %dma_wait3A_46 = arith.constant 0 : i32
      %dma_wait3A_47 = tpu.memref_slice %arg9[%mul3A_2, %dma_wait3A_46] : memref<10112x128xf32, #tpu.memory_space<vmem_shared>> -> memref<632x128xf32, #tpu.memory_space<vmem_shared>>
      tpu.wait_dma2 semaphore(%run_scoped3A_37 : memref<!tpu.dma_semaphore, #tpu.memory_space<semaphore_mem>>) src(%dma_wait3A_47 : memref<632x128xf32, #tpu.memory_space<vmem_shared>>) dst(%dma_wait3A_45 : memref<632x128xf32, #tpu.memory_space<hbm>>)
      tpu.yield
    }) : () -> ()
    return
  }
}

module attributes {stable_mosaic.version = 14 : i64} {
  func.func @_mlp_body(%arg0: i32, %arg1: memref<2x4096xf32, #tpu.memory_space<vmem>>, %arg2: memref<2x384xf32, #tpu.memory_space<vmem>>, %arg3: memref<1x384xf32, #tpu.memory_space<vmem>>, %arg4: memref<384x128xf32, #tpu.memory_space<vmem>>, %arg5: memref<1x128xf32, #tpu.memory_space<vmem>>, %arg6: memref<4096x128xf32, #tpu.memory_space<vmem>>) attributes {dimension_semantics = [#tpu.dimension_semantics<arbitrary>], iteration_bounds = array<i64: 24>, scalar_prefetch = 0 : i64, scratch_operands = 0 : i64, tpu.core_type = #tpu.core_type<tc>, window_params = [{transform_indices = @transform_0, window_bounds = array<i64: 2, 4096>}, {pipeline_mode = #tpu.pipeline_mode<synchronous>, transform_indices = @transform_1, window_bounds = array<i64: 2, 384>}, {pipeline_mode = #tpu.pipeline_mode<synchronous>, transform_indices = @transform_2, window_bounds = array<i64: 1, 384>}, {pipeline_mode = #tpu.pipeline_mode<synchronous>, transform_indices = @transform_3, window_bounds = array<i64: 384, 128>}, {pipeline_mode = #tpu.pipeline_mode<synchronous>, transform_indices = @transform_4, window_bounds = array<i64: 1, 128>}, {transform_indices = @transform_5, window_bounds = array<i64: 4096, 128>}]} {
    %get3A = arith.constant 0 : index
    %get3A_0 = arith.constant 0 : index
    %get3A_1 = vector.load %arg1[%get3A, %get3A_0] : memref<2x4096xf32, #tpu.memory_space<vmem>>, vector<2x4096xf32>
    %get3A_2 = arith.constant 0 : index
    %get3A_3 = arith.constant 0 : index
    %get3A_4 = vector.load %arg2[%get3A_2, %get3A_3] : memref<2x384xf32, #tpu.memory_space<vmem>>, vector<2x384xf32>
    %dot_general3A = arith.constant dense<0.000000e+00> : vector<4096x384xf32>
    %dot_general3A_5 = tpu.matmul %get3A_1, %get3A_4, %dot_general3A {dimension_numbers = #tpu.dot_dimension_numbers<[0], [0], [1], [1], [0, 1, 1, 1], [], []>, transpose_lhs_hint = false} : vector<2x4096xf32>, vector<2x384xf32>, vector<4096x384xf32> -> vector<4096x384xf32>
    %get3A_6 = arith.constant 0 : index
    %get3A_7 = arith.constant 0 : index
    %get3A_8 = vector.load %arg3[%get3A_6, %get3A_7] : memref<1x384xf32, #tpu.memory_space<vmem>>, vector<1x384xf32>
    %add3A = vector.broadcast %get3A_8 : vector<1x384xf32> to vector<4096x384xf32>
    %add3A_9 = arith.addf %dot_general3A_5, %add3A : vector<4096x384xf32>
    %max3A = arith.constant 0.000000e+00 : f32
    %max3A_10 = vector.broadcast %max3A : f32 to vector<4096x384xf32>
    %max3A_11 = arith.maximumf %add3A_9, %max3A_10 : vector<4096x384xf32>
    %get3A_12 = arith.constant 0 : index
    %get3A_13 = arith.constant 0 : index
    %get3A_14 = vector.load %arg4[%get3A_12, %get3A_13] : memref<384x128xf32, #tpu.memory_space<vmem>>, vector<384x128xf32>
    %dot_general3A_15 = arith.constant dense<0.000000e+00> : vector<4096x128xf32>
    %dot_general3A_16 = tpu.matmul %max3A_11, %get3A_14, %dot_general3A_15 {dimension_numbers = #tpu.dot_dimension_numbers<[1], [0], [0], [1], [0, 0, 1, 1], [], []>, transpose_lhs_hint = false} : vector<4096x384xf32>, vector<384x128xf32>, vector<4096x128xf32> -> vector<4096x128xf32>
    %get3A_17 = arith.constant 0 : index
    %get3A_18 = arith.constant 0 : index
    %get3A_19 = vector.load %arg5[%get3A_17, %get3A_18] : memref<1x128xf32, #tpu.memory_space<vmem>>, vector<1x128xf32>
    %add3A_20 = vector.broadcast %get3A_19 : vector<1x128xf32> to vector<4096x128xf32>
    %add3A_21 = arith.addf %dot_general3A_16, %add3A_20 : vector<4096x128xf32>
    %swap3A = arith.constant 0 : index
    %swap3A_22 = arith.constant 0 : index
    %swap3A_23 = vector.load %arg6[%swap3A, %swap3A_22] : memref<4096x128xf32, #tpu.memory_space<vmem>>, vector<4096x128xf32>
    tpu.vector_store %arg6[%swap3A, %swap3A_22], %add3A_21 {strides = array<i32>} : memref<4096x128xf32, #tpu.memory_space<vmem>>, vector<4096x128xf32>,
    return
  }
  func.func @transform_0(%arg0: i32) -> (i32, i32) {
    %add3A = arith.constant 8 : i32
    %add3A_0 = arith.addi %add3A, %arg0 : i32
    %min3A = arith.constant 78 : i32
    %min3A_1 = arith.minsi %add3A_0, %min3A : i32
    %c0_i32 = arith.constant 0 : i32
    %c0_i32_2 = arith.constant 0 : i32
    return %c0_i32, %min3A_1 : i32, i32
  }
  func.func @transform_1(%arg0: i32) -> (i32, i32) {
    %c0_i32 = arith.constant 0 : i32
    %c0_i32_0 = arith.constant 0 : i32
    %c0_i32_1 = arith.constant 0 : i32
    return %c0_i32, %c0_i32_0 : i32, i32
  }
  func.func @transform_2(%arg0: i32) -> (i32, i32) {
    %c0_i32 = arith.constant 0 : i32
    %c0_i32_0 = arith.constant 0 : i32
    %c0_i32_1 = arith.constant 0 : i32
    return %c0_i32, %c0_i32_0 : i32, i32
  }
  func.func @transform_3(%arg0: i32) -> (i32, i32) {
    %c0_i32 = arith.constant 0 : i32
    %c0_i32_0 = arith.constant 0 : i32
    %c0_i32_1 = arith.constant 0 : i32
    return %c0_i32, %c0_i32_0 : i32, i32
  }
  func.func @transform_4(%arg0: i32) -> (i32, i32) {
    %c0_i32 = arith.constant 0 : i32
    %c0_i32_0 = arith.constant 0 : i32
    %c0_i32_1 = arith.constant 0 : i32
    return %c0_i32, %c0_i32_0 : i32, i32
  }
  func.func @transform_5(%arg0: i32) -> (i32, i32) {
    %c0_i32 = arith.constant 0 : i32
    %c0_i32_0 = arith.constant 0 : i32
    return %arg0, %c0_i32 : i32, i32
  }
}

module attributes {stable_mosaic.version = 14 : i64} {
  func.func @_mlp_body(%arg0: i32, %arg1: memref<2x4096xf32, #tpu.memory_space<vmem>>, %arg2: memref<2x384xf32, #tpu.memory_space<vmem>>, %arg3: memref<1x384xf32, #tpu.memory_space<vmem>>, %arg4: memref<384x128xf32, #tpu.memory_space<vmem>>, %arg5: memref<1x128xf32, #tpu.memory_space<vmem>>, %arg6: memref<4096x128xf32, #tpu.memory_space<vmem>>) attributes {dimension_semantics = [#tpu.dimension_semantics<arbitrary>], iteration_bounds = array<i64: 8>, scalar_prefetch = 0 : i64, scratch_operands = 0 : i64, tpu.core_type = #tpu.core_type<tc>, window_params = [{transform_indices = @transform_0, window_bounds = array<i64: 2, 4096>}, {pipeline_mode = #tpu.pipeline_mode<synchronous>, transform_indices = @transform_1, window_bounds = array<i64: 2, 384>}, {pipeline_mode = #tpu.pipeline_mode<synchronous>, transform_indices = @transform_2, window_bounds = array<i64: 1, 384>}, {pipeline_mode = #tpu.pipeline_mode<synchronous>, transform_indices = @transform_3, window_bounds = array<i64: 384, 128>}, {pipeline_mode = #tpu.pipeline_mode<synchronous>, transform_indices = @transform_4, window_bounds = array<i64: 1, 128>}, {transform_indices = @transform_5, window_bounds = array<i64: 4096, 128>}]} {
    %get3A = arith.constant 0 : index
    %get3A_0 = arith.constant 0 : index
    %get3A_1 = vector.load %arg1[%get3A, %get3A_0] : memref<2x4096xf32, #tpu.memory_space<vmem>>, vector<2x4096xf32>
    %get3A_2 = arith.constant 0 : index
    %get3A_3 = arith.constant 0 : index
    %get3A_4 = vector.load %arg2[%get3A_2, %get3A_3] : memref<2x384xf32, #tpu.memory_space<vmem>>, vector<2x384xf32>
    %dot_general3A = arith.constant dense<0.000000e+00> : vector<4096x384xf32>
    %dot_general3A_5 = tpu.matmul %get3A_1, %get3A_4, %dot_general3A {dimension_numbers = #tpu.dot_dimension_numbers<[0], [0], [1], [1], [0, 1, 1, 1], [], []>, transpose_lhs_hint = false} : vector<2x4096xf32>, vector<2x384xf32>, vector<4096x384xf32> -> vector<4096x384xf32>
    %get3A_6 = arith.constant 0 : index
    %get3A_7 = arith.constant 0 : index
    %get3A_8 = vector.load %arg3[%get3A_6, %get3A_7] : memref<1x384xf32, #tpu.memory_space<vmem>>, vector<1x384xf32>
    %add3A = vector.broadcast %get3A_8 : vector<1x384xf32> to vector<4096x384xf32>
    %add3A_9 = arith.addf %dot_general3A_5, %add3A : vector<4096x384xf32>
    %max3A = arith.constant 0.000000e+00 : f32
    %max3A_10 = vector.broadcast %max3A : f32 to vector<4096x384xf32>
    %max3A_11 = arith.maximumf %add3A_9, %max3A_10 : vector<4096x384xf32>
    %get3A_12 = arith.constant 0 : index
    %get3A_13 = arith.constant 0 : index
    %get3A_14 = vector.load %arg4[%get3A_12, %get3A_13] : memref<384x128xf32, #tpu.memory_space<vmem>>, vector<384x128xf32>
    %dot_general3A_15 = arith.constant dense<0.000000e+00> : vector<4096x128xf32>
    %dot_general3A_16 = tpu.matmul %max3A_11, %get3A_14, %dot_general3A_15 {dimension_numbers = #tpu.dot_dimension_numbers<[1], [0], [0], [1], [0, 0, 1, 1], [], []>, transpose_lhs_hint = false} : vector<4096x384xf32>, vector<384x128xf32>, vector<4096x128xf32> -> vector<4096x128xf32>
    %get3A_17 = arith.constant 0 : index
    %get3A_18 = arith.constant 0 : index
    %get3A_19 = vector.load %arg5[%get3A_17, %get3A_18] : memref<1x128xf32, #tpu.memory_space<vmem>>, vector<1x128xf32>
    %add3A_20 = vector.broadcast %get3A_19 : vector<1x128xf32> to vector<4096x128xf32>
    %add3A_21 = arith.addf %dot_general3A_16, %add3A_20 : vector<4096x128xf32>
    %swap3A = arith.constant 0 : index
    %swap3A_22 = arith.constant 0 : index
    %swap3A_23 = vector.load %arg6[%swap3A, %swap3A_22] : memref<4096x128xf32, #tpu.memory_space<vmem>>, vector<4096x128xf32>
    tpu.vector_store %arg6[%swap3A, %swap3A_22], %add3A_21 {strides = array<i32>} : memref<4096x128xf32, #tpu.memory_space<vmem>>, vector<4096x128xf32>,
    return
  }
  func.func @transform_0(%arg0: i32) -> (i32, i32) {
    %add3A = arith.constant 0 : i32
    %add3A_0 = arith.addi %add3A, %arg0 : i32
    %min3A = arith.constant 78 : i32
    %min3A_1 = arith.minsi %add3A_0, %min3A : i32
    %c0_i32 = arith.constant 0 : i32
    %c0_i32_2 = arith.constant 0 : i32
    return %c0_i32, %min3A_1 : i32, i32
  }
  func.func @transform_1(%arg0: i32) -> (i32, i32) {
    %c0_i32 = arith.constant 0 : i32
    %c0_i32_0 = arith.constant 0 : i32
    %c0_i32_1 = arith.constant 0 : i32
    return %c0_i32, %c0_i32_0 : i32, i32
  }
  func.func @transform_2(%arg0: i32) -> (i32, i32) {
    %c0_i32 = arith.constant 0 : i32
    %c0_i32_0 = arith.constant 0 : i32
    %c0_i32_1 = arith.constant 0 : i32
    return %c0_i32, %c0_i32_0 : i32, i32
  }
  func.func @transform_3(%arg0: i32) -> (i32, i32) {
    %c0_i32 = arith.constant 0 : i32
    %c0_i32_0 = arith.constant 0 : i32
    %c0_i32_1 = arith.constant 0 : i32
    return %c0_i32, %c0_i32_0 : i32, i32
  }
  func.func @transform_4(%arg0: i32) -> (i32, i32) {
    %c0_i32 = arith.constant 0 : i32
    %c0_i32_0 = arith.constant 0 : i32
    %c0_i32_1 = arith.constant 0 : i32
    return %c0_i32, %c0_i32_0 : i32, i32
  }
  func.func @transform_5(%arg0: i32) -> (i32, i32) {
    %c0_i32 = arith.constant 0 : i32
    %c0_i32_0 = arith.constant 0 : i32
    return %arg0, %c0_i32 : i32, i32
  }
}

module attributes {stable_mosaic.version = 14 : i64} {
  func.func @_mlp_body(%arg0: i32, %arg1: memref<2x4096xf32, #tpu.memory_space<vmem>>, %arg2: memref<2x384xf32, #tpu.memory_space<vmem>>, %arg3: memref<1x384xf32, #tpu.memory_space<vmem>>, %arg4: memref<384x128xf32, #tpu.memory_space<vmem>>, %arg5: memref<1x128xf32, #tpu.memory_space<vmem>>, %arg6: memref<4096x128xf32, #tpu.memory_space<vmem>>) attributes {dimension_semantics = [#tpu.dimension_semantics<arbitrary>], iteration_bounds = array<i64: 24>, scalar_prefetch = 0 : i64, scratch_operands = 0 : i64, tpu.core_type = #tpu.core_type<tc>, window_params = [{transform_indices = @transform_0, window_bounds = array<i64: 2, 4096>}, {pipeline_mode = #tpu.pipeline_mode<synchronous>, transform_indices = @transform_1, window_bounds = array<i64: 2, 384>}, {pipeline_mode = #tpu.pipeline_mode<synchronous>, transform_indices = @transform_2, window_bounds = array<i64: 1, 384>}, {pipeline_mode = #tpu.pipeline_mode<synchronous>, transform_indices = @transform_3, window_bounds = array<i64: 384, 128>}, {pipeline_mode = #tpu.pipeline_mode<synchronous>, transform_indices = @transform_4, window_bounds = array<i64: 1, 128>}, {transform_indices = @transform_5, window_bounds = array<i64: 4096, 128>}]} {
    %get3A = arith.constant 0 : index
    %get3A_0 = arith.constant 0 : index
    %get3A_1 = vector.load %arg1[%get3A, %get3A_0] : memref<2x4096xf32, #tpu.memory_space<vmem>>, vector<2x4096xf32>
    %get3A_2 = arith.constant 0 : index
    %get3A_3 = arith.constant 0 : index
    %get3A_4 = vector.load %arg2[%get3A_2, %get3A_3] : memref<2x384xf32, #tpu.memory_space<vmem>>, vector<2x384xf32>
    %dot_general3A = arith.constant dense<0.000000e+00> : vector<4096x384xf32>
    %dot_general3A_5 = tpu.matmul %get3A_1, %get3A_4, %dot_general3A {dimension_numbers = #tpu.dot_dimension_numbers<[0], [0], [1], [1], [0, 1, 1, 1], [], []>, transpose_lhs_hint = false} : vector<2x4096xf32>, vector<2x384xf32>, vector<4096x384xf32> -> vector<4096x384xf32>
    %get3A_6 = arith.constant 0 : index
    %get3A_7 = arith.constant 0 : index
    %get3A_8 = vector.load %arg3[%get3A_6, %get3A_7] : memref<1x384xf32, #tpu.memory_space<vmem>>, vector<1x384xf32>
    %add3A = vector.broadcast %get3A_8 : vector<1x384xf32> to vector<4096x384xf32>
    %add3A_9 = arith.addf %dot_general3A_5, %add3A : vector<4096x384xf32>
    %max3A = arith.constant 0.000000e+00 : f32
    %max3A_10 = vector.broadcast %max3A : f32 to vector<4096x384xf32>
    %max3A_11 = arith.maximumf %add3A_9, %max3A_10 : vector<4096x384xf32>
    %get3A_12 = arith.constant 0 : index
    %get3A_13 = arith.constant 0 : index
    %get3A_14 = vector.load %arg4[%get3A_12, %get3A_13] : memref<384x128xf32, #tpu.memory_space<vmem>>, vector<384x128xf32>
    %dot_general3A_15 = arith.constant dense<0.000000e+00> : vector<4096x128xf32>
    %dot_general3A_16 = tpu.matmul %max3A_11, %get3A_14, %dot_general3A_15 {dimension_numbers = #tpu.dot_dimension_numbers<[1], [0], [0], [1], [0, 0, 1, 1], [], []>, transpose_lhs_hint = false} : vector<4096x384xf32>, vector<384x128xf32>, vector<4096x128xf32> -> vector<4096x128xf32>
    %get3A_17 = arith.constant 0 : index
    %get3A_18 = arith.constant 0 : index
    %get3A_19 = vector.load %arg5[%get3A_17, %get3A_18] : memref<1x128xf32, #tpu.memory_space<vmem>>, vector<1x128xf32>
    %add3A_20 = vector.broadcast %get3A_19 : vector<1x128xf32> to vector<4096x128xf32>
    %add3A_21 = arith.addf %dot_general3A_16, %add3A_20 : vector<4096x128xf32>
    %swap3A = arith.constant 0 : index
    %swap3A_22 = arith.constant 0 : index
    %swap3A_23 = vector.load %arg6[%swap3A, %swap3A_22] : memref<4096x128xf32, #tpu.memory_space<vmem>>, vector<4096x128xf32>
    tpu.vector_store %arg6[%swap3A, %swap3A_22], %add3A_21 {strides = array<i32>} : memref<4096x128xf32, #tpu.memory_space<vmem>>, vector<4096x128xf32>,
    return
  }
  func.func @transform_0(%arg0: i32) -> (i32, i32) {
    %add3A = arith.constant 32 : i32
    %add3A_0 = arith.addi %add3A, %arg0 : i32
    %min3A = arith.constant 78 : i32
    %min3A_1 = arith.minsi %add3A_0, %min3A : i32
    %c0_i32 = arith.constant 0 : i32
    %c0_i32_2 = arith.constant 0 : i32
    return %c0_i32, %min3A_1 : i32, i32
  }
  func.func @transform_1(%arg0: i32) -> (i32, i32) {
    %c0_i32 = arith.constant 0 : i32
    %c0_i32_0 = arith.constant 0 : i32
    %c0_i32_1 = arith.constant 0 : i32
    return %c0_i32, %c0_i32_0 : i32, i32
  }
  func.func @transform_2(%arg0: i32) -> (i32, i32) {
    %c0_i32 = arith.constant 0 : i32
    %c0_i32_0 = arith.constant 0 : i32
    %c0_i32_1 = arith.constant 0 : i32
    return %c0_i32, %c0_i32_0 : i32, i32
  }
  func.func @transform_3(%arg0: i32) -> (i32, i32) {
    %c0_i32 = arith.constant 0 : i32
    %c0_i32_0 = arith.constant 0 : i32
    %c0_i32_1 = arith.constant 0 : i32
    return %c0_i32, %c0_i32_0 : i32, i32
  }
  func.func @transform_4(%arg0: i32) -> (i32, i32) {
    %c0_i32 = arith.constant 0 : i32
    %c0_i32_0 = arith.constant 0 : i32
    %c0_i32_1 = arith.constant 0 : i32
    return %c0_i32, %c0_i32_0 : i32, i32
  }
  func.func @transform_5(%arg0: i32) -> (i32, i32) {
    %c0_i32 = arith.constant 0 : i32
    %c0_i32_0 = arith.constant 0 : i32
    return %arg0, %c0_i32 : i32, i32
  }
}

module attributes {stable_mosaic.version = 14 : i64} {
  func.func @_mlp_body(%arg0: i32, %arg1: memref<2x4096xf32, #tpu.memory_space<vmem>>, %arg2: memref<2x384xf32, #tpu.memory_space<vmem>>, %arg3: memref<1x384xf32, #tpu.memory_space<vmem>>, %arg4: memref<384x128xf32, #tpu.memory_space<vmem>>, %arg5: memref<1x128xf32, #tpu.memory_space<vmem>>, %arg6: memref<4096x128xf32, #tpu.memory_space<vmem>>) attributes {dimension_semantics = [#tpu.dimension_semantics<arbitrary>], iteration_bounds = array<i64: 24>, scalar_prefetch = 0 : i64, scratch_operands = 0 : i64, tpu.core_type = #tpu.core_type<tc>, window_params = [{transform_indices = @transform_0, window_bounds = array<i64: 2, 4096>}, {pipeline_mode = #tpu.pipeline_mode<synchronous>, transform_indices = @transform_1, window_bounds = array<i64: 2, 384>}, {pipeline_mode = #tpu.pipeline_mode<synchronous>, transform_indices = @transform_2, window_bounds = array<i64: 1, 384>}, {pipeline_mode = #tpu.pipeline_mode<synchronous>, transform_indices = @transform_3, window_bounds = array<i64: 384, 128>}, {pipeline_mode = #tpu.pipeline_mode<synchronous>, transform_indices = @transform_4, window_bounds = array<i64: 1, 128>}, {transform_indices = @transform_5, window_bounds = array<i64: 4096, 128>}]} {
    %get3A = arith.constant 0 : index
    %get3A_0 = arith.constant 0 : index
    %get3A_1 = vector.load %arg1[%get3A, %get3A_0] : memref<2x4096xf32, #tpu.memory_space<vmem>>, vector<2x4096xf32>
    %get3A_2 = arith.constant 0 : index
    %get3A_3 = arith.constant 0 : index
    %get3A_4 = vector.load %arg2[%get3A_2, %get3A_3] : memref<2x384xf32, #tpu.memory_space<vmem>>, vector<2x384xf32>
    %dot_general3A = arith.constant dense<0.000000e+00> : vector<4096x384xf32>
    %dot_general3A_5 = tpu.matmul %get3A_1, %get3A_4, %dot_general3A {dimension_numbers = #tpu.dot_dimension_numbers<[0], [0], [1], [1], [0, 1, 1, 1], [], []>, transpose_lhs_hint = false} : vector<2x4096xf32>, vector<2x384xf32>, vector<4096x384xf32> -> vector<4096x384xf32>
    %get3A_6 = arith.constant 0 : index
    %get3A_7 = arith.constant 0 : index
    %get3A_8 = vector.load %arg3[%get3A_6, %get3A_7] : memref<1x384xf32, #tpu.memory_space<vmem>>, vector<1x384xf32>
    %add3A = vector.broadcast %get3A_8 : vector<1x384xf32> to vector<4096x384xf32>
    %add3A_9 = arith.addf %dot_general3A_5, %add3A : vector<4096x384xf32>
    %max3A = arith.constant 0.000000e+00 : f32
    %max3A_10 = vector.broadcast %max3A : f32 to vector<4096x384xf32>
    %max3A_11 = arith.maximumf %add3A_9, %max3A_10 : vector<4096x384xf32>
    %get3A_12 = arith.constant 0 : index
    %get3A_13 = arith.constant 0 : index
    %get3A_14 = vector.load %arg4[%get3A_12, %get3A_13] : memref<384x128xf32, #tpu.memory_space<vmem>>, vector<384x128xf32>
    %dot_general3A_15 = arith.constant dense<0.000000e+00> : vector<4096x128xf32>
    %dot_general3A_16 = tpu.matmul %max3A_11, %get3A_14, %dot_general3A_15 {dimension_numbers = #tpu.dot_dimension_numbers<[1], [0], [0], [1], [0, 0, 1, 1], [], []>, transpose_lhs_hint = false} : vector<4096x384xf32>, vector<384x128xf32>, vector<4096x128xf32> -> vector<4096x128xf32>
    %get3A_17 = arith.constant 0 : index
    %get3A_18 = arith.constant 0 : index
    %get3A_19 = vector.load %arg5[%get3A_17, %get3A_18] : memref<1x128xf32, #tpu.memory_space<vmem>>, vector<1x128xf32>
    %add3A_20 = vector.broadcast %get3A_19 : vector<1x128xf32> to vector<4096x128xf32>
    %add3A_21 = arith.addf %dot_general3A_16, %add3A_20 : vector<4096x128xf32>
    %swap3A = arith.constant 0 : index
    %swap3A_22 = arith.constant 0 : index
    %swap3A_23 = vector.load %arg6[%swap3A, %swap3A_22] : memref<4096x128xf32, #tpu.memory_space<vmem>>, vector<4096x128xf32>
    tpu.vector_store %arg6[%swap3A, %swap3A_22], %add3A_21 {strides = array<i32>} : memref<4096x128xf32, #tpu.memory_space<vmem>>, vector<4096x128xf32>,
    return
  }
  func.func @transform_0(%arg0: i32) -> (i32, i32) {
    %add3A = arith.constant 56 : i32
    %add3A_0 = arith.addi %add3A, %arg0 : i32
    %min3A = arith.constant 78 : i32
    %min3A_1 = arith.minsi %add3A_0, %min3A : i32
    %c0_i32 = arith.constant 0 : i32
    %c0_i32_2 = arith.constant 0 : i32
    return %c0_i32, %min3A_1 : i32, i32
  }
  func.func @transform_1(%arg0: i32) -> (i32, i32) {
    %c0_i32 = arith.constant 0 : i32
    %c0_i32_0 = arith.constant 0 : i32
    %c0_i32_1 = arith.constant 0 : i32
    return %c0_i32, %c0_i32_0 : i32, i32
  }
  func.func @transform_2(%arg0: i32) -> (i32, i32) {
    %c0_i32 = arith.constant 0 : i32
    %c0_i32_0 = arith.constant 0 : i32
    %c0_i32_1 = arith.constant 0 : i32
    return %c0_i32, %c0_i32_0 : i32, i32
  }
  func.func @transform_3(%arg0: i32) -> (i32, i32) {
    %c0_i32 = arith.constant 0 : i32
    %c0_i32_0 = arith.constant 0 : i32
    %c0_i32_1 = arith.constant 0 : i32
    return %c0_i32, %c0_i32_0 : i32, i32
  }
  func.func @transform_4(%arg0: i32) -> (i32, i32) {
    %c0_i32 = arith.constant 0 : i32
    %c0_i32_0 = arith.constant 0 : i32
    %c0_i32_1 = arith.constant 0 : i32
    return %c0_i32, %c0_i32_0 : i32, i32
  }
  func.func @transform_5(%arg0: i32) -> (i32, i32) {
    %c0_i32 = arith.constant 0 : i32
    %c0_i32_0 = arith.constant 0 : i32
    return %arg0, %c0_i32 : i32, i32
  }
}

module attributes {stable_mosaic.version = 14 : i64} {
  func.func @_combine_body(%arg0: i32, %arg1: memref<1x2000x128xf32, #tpu.memory_space<vmem>>, %arg2: memref<1x2000x128xf32, #tpu.memory_space<vmem>>, %arg3: memref<2000x128xf32, #tpu.memory_space<vmem>>) attributes {dimension_semantics = [#tpu.dimension_semantics<arbitrary>], iteration_bounds = array<i64: 5>, scalar_prefetch = 0 : i64, scratch_operands = 0 : i64, tpu.core_type = #tpu.core_type<tc>, window_params = [{transform_indices = @transform_0, window_bounds = array<i64: 1, 2000, 128>}, {transform_indices = @transform_1, window_bounds = array<i64: 1, 2000, 128>}, {transform_indices = @transform_2, window_bounds = array<i64: 2000, 128>}]} {
    %get3A = arith.constant 0 : index
    %get3A_0 = arith.constant 0 : index
    %get3A_1 = arith.constant 0 : index
    %get3A_2 = vector.load %arg1[%get3A, %get3A_0, %get3A_1] : memref<1x2000x128xf32, #tpu.memory_space<vmem>>, vector<1x2000x128xf32>
    %get3A_3 = vector.shape_cast %get3A_2 : vector<1x2000x128xf32> to vector<2000x128xf32>
    %get3A_4 = arith.constant 0 : index
    %get3A_5 = arith.constant 0 : index
    %get3A_6 = arith.constant 0 : index
    %get3A_7 = vector.load %arg2[%get3A_4, %get3A_5, %get3A_6] : memref<1x2000x128xf32, #tpu.memory_space<vmem>>, vector<1x2000x128xf32>
    %get3A_8 = vector.shape_cast %get3A_7 : vector<1x2000x128xf32> to vector<2000x128xf32>
    %add3A = arith.addf %get3A_3, %get3A_8 : vector<2000x128xf32>
    %swap3A = arith.constant 0 : index
    %swap3A_9 = arith.constant 0 : index
    %swap3A_10 = vector.load %arg3[%swap3A, %swap3A_9] : memref<2000x128xf32, #tpu.memory_space<vmem>>, vector<2000x128xf32>
    tpu.vector_store %arg3[%swap3A, %swap3A_9], %add3A {strides = array<i32>} : memref<2000x128xf32, #tpu.memory_space<vmem>>, vector<2000x128xf32>,
    return
  }
  func.func @transform_0(%arg0: i32) -> (i32, i32, i32) {
    %c0_i32 = arith.constant 0 : i32
    %c0_i32_0 = arith.constant 0 : i32
    %c0_i32_1 = arith.constant 0 : i32
    return %c0_i32, %arg0, %c0_i32_0 : i32, i32, i32
  }
  func.func @transform_1(%arg0: i32) -> (i32, i32, i32) {
    %c1_i32 = arith.constant 1 : i32
    %c0_i32 = arith.constant 0 : i32
    %c0_i32_0 = arith.constant 0 : i32
    return %c1_i32, %arg0, %c0_i32 : i32, i32, i32
  }
  func.func @transform_2(%arg0: i32) -> (i32, i32) {
    %c0_i32 = arith.constant 0 : i32
    %c0_i32_0 = arith.constant 0 : i32
    return %arg0, %c0_i32 : i32, i32
  }
}

</mosaic_0001>

<sc_bundles>
// kernel: kernel.11.cloned.1.call-start
scs
__scs_entry_jumppad:
0x0: {  	(pc) =	sbr.rel $0x88, $3  }
0x1: {  	(tag) =	ssettag $0x0;
	lr =	simm.s32 $0x1  }
0x2: {  	[smem:$0x3F9B] =	sst lr;
	_ =	strace $0xD0000000  }
0x3: {  	_ = 	snop  }
0x4: {  	_ = 	snop  }
0x5: {  	_ = 	snop  }
0x6: {  	_ = 	snop  }
0x7: {  	_ = 	snop  }
__scs_overlays_trampoline_lowered:
0x8: {  	[smem:$0x3FAA] =	sst s0  }
0x9: {  	[smem:$0x3FAB] =	sst s1  }
0xa: {  	[smem:$0x3FAC] =	sst s2  }
0xb: {  	[smem:$0x3FAD] =	sst s3  }
0xc: {  	[smem:$0x3FAE] =	sst s4  }
0xd: {  	[smem:$0x3FAF] =	sst s5  }
0xe: {  	[smem:$0x3FB0] =	sst s6  }
0xf: {  	[smem:$0x3FB1] =	sst s7  }
0x10: {  	[smem:$0x3FB2] =	sst s8  }
0x11: {  	[smem:$0x3FB3] =	sst s9;
	s0 =	simm.s32 @!p0 $0x0  }
0x12: {  	s1 =	sld [smem:$0x3F99];
	s0 =	simm.s32 @p0 $0x1  }
0x13: {  	[smem:$0x3FB4] =	sst s0;
	s0 =	simm.s32 @!p1 $0x0  }
0x14: {  	s2 =	sld [smem:$0x3F98];
	s0 =	simm.s32 @p1 $0x1  }
0x15: {  	[smem:$0x3FB5] =	sst s0;
	s0 =	simm.s32 @!p2 $0x0  }
0x16: {  	s3 =	sld [smem:$0x3FDB];
	s0 =	simm.s32 @p2 $0x1  }
0x17: {  	s4 =	simm.s32 $0x1BF5;
	[smem:$0x3FB7] =	sst s0  }
0x18: {  	s0 =	sld [smem:$0x3F9A];
	_ =	swait.ge [sflag:s4], $0x0  }
0x19: {  	s7 =	sld [smem:$0x3F9B]  }
0x1a: {  	s8 =	sadd.s32 $0xFFFFE003, lr  }
0x1b: {  	s9 =	sadd.s32 $0xFFFFFEF7, lr;
	s5 =	simm.s32 $0xFFFFFFFF;
	p2 =	slt.u32 s8, $0xFFFFF086  }
0x1c: {  	p1 =	slt.u32 s9, $0xF7A;
	s5 =	simm.s32 @!p2 $0x0  }
0x1d: {  	s5 =	simm.s32 @p1 $0x1;
	p0 =	seq.s32 s7, s2  }
0x1e: {  	s7 =	smul.u32 @!p0 $0xF7A, s2;
	p2 =	seq.s32 @!p0 s5, $0x0  }
0x1f: {  	s9 =	smul.u32 $0xF7A, s1;
	s8 =	simm.s32 @!p0 $0x1BF5;
	p2 =	por !p2, p0  }
0x20: {  	[sflag:s8] =	ssyncset.s32 @!p0 $0xFFFFF086;
	s6 =	sadd.s32 @!p0 s3, s7;
	s7 =	simm.s32 @!p0 $0x108  }
0x21: {  	s3 =	sadd.s32 s3, s9;
	s6 =	sadd.s32 @!p0 $0x88, s6;
	s7 =	simm.s32 @p2 $0x1082  }
0x22: {  	[simem:s7], [sflag:s8] =	dma.local @!p0 [hbm:s6], $0xF7A  }
0x23: {  	s9 =	sor.u32 $0xD0000000, s2;
	s6 =	simm.s32 $0x108;
	_ =	swait.ge @!p0 [sflag:s8], $0x0  }
0x24: {  	s3 =	sadd.s32 $0x88, s3;
	s6 =	simm.s32 @!p1 $0x1082;
	[sflag:s4] =	ssyncset.s32 $0xFFFFF086  }
0x25: {  	[simem:s6], [sflag:s4] =	dma.local [hbm:s3], $0xF7A  }
0x26: {  	[smem:$0x3F9B] =	sst s1;
	(tag) =	ssettag s2;
	_ =	strace s9  }
0x27: {  	s1 =	sld [smem:$0x3FAB]  }
0x28: {  	s2 =	sld [smem:$0x3FAC]  }
0x29: {  	s4 =	sld [smem:$0x3FAE]  }
0x2a: {  	p0 =	seq.s32 s5, $0x0;
	s5 =	sld [smem:$0x3FAF]  }
0x2b: {  	s6 =	sld [smem:$0x3FB0]  }
0x2c: {  	s7 =	sld [smem:$0x3FB1]  }
0x2d: {  	s3 =	simm.s32 $0x108;
	s8 =	sld [smem:$0x3FB2]  }
0x2e: {  	s3 =	simm.s32 @!p0 $0x1082;
	s9 =	sld [smem:$0x3FB3]  }
0x2f: {  	lr =	sadd.s32 s0, s3;
	s0 =	sld [smem:$0x3FAA]  }
0x30: {  	s3 =	sld [smem:$0x3FAD]  }
0x31: {  	[smem:$0x3FB6] =	sst s10  }
0x32: {  	s10 =	sld [smem:$0x3FB4];
	_ =	sdelay $0x3  }
0x33: {  	p0 =	seq.s32 s10, $0x1;
	s10 =	sld [smem:$0x3FB6];
	_ =	sdelay $0x3  }
0x34: {  	[smem:$0x3FB6] =	sst s10  }
0x35: {  	s10 =	sld [smem:$0x3FB5];
	_ =	sdelay $0x3  }
0x36: {  	p1 =	seq.s32 s10, $0x1;
	s10 =	sld [smem:$0x3FB6];
	_ =	sdelay $0x3  }
0x37: {  	[smem:$0x3FB6] =	sst s10  }
0x38: {  	s10 =	sld [smem:$0x3FB7]  }
0x39: {  	_ = 	snop;
	(pc) =	sbr.ind lr, $3  }
0x3a: {  	_ = 	snop  }
0x3b: {  	_ = 	snop  }
0x3c: {  	p2 =	seq.s32 s10, $0x1;
	s10 =	sld [smem:$0x3FB6]  }
0x3d: {  	_ =	shalt  }
0x3e: {  	_ =	shalt  }
0x3f: {  	_ =	shalt  }
0x40: {  	_ =	shalt  }
0x41: {  	_ =	shalt  }
0x42: {  	_ =	shalt  }
0x43: {  	_ =	shalt  }
0x44: {  	_ =	shalt  }
0x45: {  	_ =	shalt  }
0x46: {  	_ =	shalt  }
0x47: {  	_ =	shalt  }
0x48: {  	_ =	shalt  }
0x49: {  	_ =	shalt  }
0x4a: {  	_ =	shalt  }
0x4b: {  	_ =	shalt  }
0x4c: {  	_ =	shalt  }
0x4d: {  	_ =	shalt  }
0x4e: {  	_ =	shalt  }
0x4f: {  	_ =	shalt  }
0x50: {  	_ =	shalt  }
0x51: {  	_ =	shalt  }
0x52: {  	_ =	shalt  }
0x53: {  	_ =	shalt  }
0x54: {  	_ =	shalt  }
0x55: {  	_ =	shalt  }
0x56: {  	_ =	shalt  }
0x57: {  	_ =	shalt  }
0x58: {  	_ =	shalt  }
0x59: {  	_ =	shalt  }
0x5a: {  	_ =	shalt  }
0x5b: {  	_ =	shalt  }
0x5c: {  	_ =	shalt  }
0x5d: {  	_ =	shalt  }
0x5e: {  	_ =	shalt  }
0x5f: {  	_ =	shalt  }
0x60: {  	_ =	shalt  }
0x61: {  	_ =	shalt  }
0x62: {  	_ =	shalt  }
0x63: {  	_ =	shalt  }
0x64: {  	_ =	shalt  }
0x65: {  	_ =	shalt  }
0x66: {  	_ =	shalt  }
0x67: {  	_ =	shalt  }
0x68: {  	_ =	shalt  }
0x69: {  	_ =	shalt  }
0x6a: {  	_ =	shalt  }
0x6b: {  	_ =	shalt  }
0x6c: {  	_ =	shalt  }
0x6d: {  	_ =	shalt  }
0x6e: {  	_ =	shalt  }
0x6f: {  	_ =	shalt  }
0x70: {  	_ =	shalt  }
0x71: {  	_ =	shalt  }
0x72: {  	_ =	shalt  }
0x73: {  	_ =	shalt  }
0x74: {  	_ =	shalt  }
0x75: {  	_ =	shalt  }
0x76: {  	_ =	shalt  }
0x77: {  	_ =	shalt  }
0x78: {  	_ =	shalt  }
0x79: {  	_ =	shalt  }
0x7a: {  	_ =	shalt  }
0x7b: {  	_ =	shalt  }
0x7c: {  	_ =	shalt  }
0x7d: {  	_ =	shalt  }
0x7e: {  	_ =	shalt  }
0x7f: {  	_ =	shalt  }
0x80: {  	_ =	shalt  }
0x81: {  	_ =	shalt  }
0x82: {  	_ =	shalt  }
0x83: {  	_ =	shalt  }
0x84: {  	_ =	shalt  }
0x85: {  	_ =	shalt  }
0x86: {  	_ =	shalt  }
0x87: {  	_ =	shalt  }
.Lfunc_end0:
.L_simem_size_0:
called_computation_lowered:
.L_overlay_start_0:
0x88: {  	s2 =	sld [smem:$0x3FD9]  }
0x89: {  	s3 =	sld [smem:$0x3FFE];
	_ =	sdelay $0x1  }
0x8a: {  	s1 =	srdreg.scid  }
0x8b: {  	s0 =	sand.u32 $0x1, s1  }
0x8c: {  	s17 =	sshll.u32 s0, $0xA;
	s2 =	sadd.s32 s3, s2  }
0x8d: {  	s2 =	sadd.s32 s2, s17  }
0x8e: {  	[smem:$0x3FC2] =	sst s2  }
0x8f: {  	_ = 	snop  }
0x90: {  	s2 =	sld [smem:$0x3FD0];
	(tm) =	ssettm $0x1  }
0x91: {  	s18 =	sld [smem:$0x3FFB];
	_ =	sdelay $0x3  }
0x92: {  	_ =	strace s18  }
0x93: {  	s3 =	sld [smem:$0x3FFC];
	_ =	sdelay $0x3  }
0x94: {  	_ =	strace s3  }
0x95: {  	s3 =	sld [smem:$0x3FFD];
	_ =	sdelay $0x3  }
0x96: {  	_ =	strace s3  }
0x97: {  	_ =	strace $0x8FFFFFFF  }
0x98: {  	s19 =	sld [smem:$0x3FDB];
	_ =	sdelay $0x1  }
0x99: {  	s4 =	simm.s32 $_scs_section_size  }
0x9a: {  	s5 =	simm.s32 $_size__tile_overlayer_lowered;
	s6 =	simm.s32 $_tile_overlayer_lowered  }
0x9b: {  	s22 =	simm.s32 $0x1BFF;
	s21 =	sshll.u32 s6, $0x1;
	s3 =	sadd.s32 s4, s19  }
0x9c: {  	s7 =	simm.s32 $0x0;
	s20 =	sshll.u32 s5, $0x1;
	s5 =	sadd.s32 s21, s3  }
0x9d: {  	[timem:s7], [sflag:s22] =	dma.local [hbm:s5], s20  }
0x9e: {  	_ =	swait.ge [sflag:s22], s20  }
0x9f: {  	s4 =	ssub.s32 $0x0, s20;
	[sflag:s22] =	ssyncset.done $0x0  }
0xa0: {  	[sflag:s22] =	ssyncadd.s32 s4;
	_ =	sdelay $0x1  }
0xa1: {  	s23 =	simm.s32 $0x1B8B  }
0xa2: {  	_ =	swait.ge [sflag:s23], $0x1  }
0xa3: {  	[sflag:s23] =	ssyncset.done $0x0  }
0xa4: {  	s25 =	simm.s32 $0x1B8E;
	s24 =	sld [smem:$0x3FFE];
	[sflag:s23] =	ssyncadd.s32 $0xFFFFFFFF  }
0xa5: {  	s26 =	simm.s32 $execute0_lowered;
	[smem:$0x3FD2] =	sst s25  }
0xa6: {  	s5 =	sshll.u32 s26, $0x1;
	_ =	strace $0x80000046;
	[dreg:$0x1] =	wrdreg $0xFFFFFFFF  }
0xa7: {  	s28 =	simm.s32 $_size_execute0_lowered;
	s3 =	sadd.s32 s3, s5;
	[dreg:$0x0] =	wrdreg $0x0  }
0xa8: {  	s5 =	sshll.u32 s28, $0x1;
	[dreg:$0x2] =	wrdreg s3  }
0xa9: {  	[dreg:$0x3] =	wrdreg s5  }
0xaa: {  	[dreg:$0x4] =	wrdreg $0xC0  }
0xab: {  	_ =	task [dreg:s7], $0x5FFFF  }
0xac: {  	[dreg:$0x1] =	wrdreg $0xFFFFFFFF  }
0xad: {  	[dreg:$0x0] =	wrdreg $0x60  }
0xae: {  	[dreg:$0x2] =	wrdreg s24  }
0xaf: {  	[dreg:$0x3] =	wrdreg s2  }
0xb0: {  	[dreg:$0x4] =	wrdreg $0x84000  }
0xb1: {  	[dreg:$0x5] =	wrdreg $0x9  }
0xb2: {  	_ =	task.clear_ibuf [dreg:s7], $0x6FFFF;
	_ =	strace $0x90000046  }
0xb3: {  	s29 =	simm.s32 $0x9;
	_ =	strace $0x80000048  }
0xb4: {  	_ =	swait.ge [sflag:s29], $0x1  }
0xb5: {  	[sflag:s29] =	ssyncadd.s32 $0xFFFFFFFF  }
0xb6: {  	_ =	strace $0x90000048  }
0xb7: {  	_ =	sfence  }
0xb8: {  	s30 =	sld [smem:$0x0];
	_ =	sdelay $0x2  }
0xb9: {  	s31 =	sshll.u32 s1, $0xD;
	s1 =	sshrl.u32 s1, $0x2  }
0xba: {  	s3 =	sand.u32 $0x4000, s31;
	s1 =	sadd.s32 s1, s30  }
0xbb: {  	s0 =	sor.u32 s3, s0;
	s1 =	sshll.u32 s1, $0x11  }
0xbc: {  	s0 =	sor.u32 s1, s0  }
0xbd: {  	s0 =	sadd.s32 $0x8F2B, s0  }
0xbe: {  	[sflag:s0] =	ssyncadd.remote.s32 $0x1  }
0xbf: {  	_ =	sfence.sel $0xFFFF  }
0xc0: {  	[dreg:$0x0] =	wrdreg $0xFFFFFFFF;
	(pc) =	sbr.abs _section_cstart, $3  }
0xc1: {  	[dreg:$0x1] =	wrdreg $0xFFFFFFFF  }
0xc2: {  	_ =	task.clear_ibuf [dreg:s7], $0x2FFFF;
	_ =	strace $0x9FFFFFFF  }
0xc3: {  	(tm) =	ssettm $0x7FFFFFFF  }
tec
execute0_lowered:
.L_overlay_start_1:
0x0: {  	(tag) =	ssettag $0x1  }
0x1: {  	s29 =	rddreg [dreg:$0x0]  }
0x2: {  	s8 =	rddreg [dreg:$0x1]  }
0x3: {  	s2 =	rddreg [dreg:$0x2];
	s1 =	stileid.u32  }
0x4: {  	s3 =	simm.s32 $0x0;
	s4 =	srdreg.scid;
	s30 =	smul.u32 $0x13C00, s1  }
0x5: {  	[smem:$0x7FF] =	sst s3;
	s31 =	sand.u32 $0x1, s4;
	s23 =	smul.u32 $0x4F000, s1  }
0x6: {  	s26 =	sshll.u32 s1, $0x6;
	_ =	strace $0x80000047;
	s5 =	sshll.u32 s31, $0x4  }
0x7: {  	s6 =	sshrl.u32 s30, $0x3;
	s9 =	sor.u32 s1, s5;
	s4 =	sshrl.u32 s23, $0x2  }
0x8: {  	s5 =	sor.u32 $0x1C03, s26;
	s24 =	sadd.s32 s6, s29;
	s25 =	sadd.s32 s4, s2  }
0x9: {  	s6 =	simm.s32 $0x3;
	s4 =	sadd.s32 $0x81C00, s24;
	s7 =	sshrl.u32 s25, $0x3  }
0xa: {  	[spmem:s7], [sflag:s5] =	dma.local [hbm:s4], $0x2780  }
0xb: {  	s10 =	sshll.u32 s9, $0x7;
	_ =	swait.ge [sflag:s6], $0x2780  }
0xc: {  	s8 =	sadd.s32 s10, s8;
	[sflag:s6] =	ssyncset.done $0x0  }
0xd: {  	s8 =	sadd.s32 $0xA000, s8;
	[sflag:s6] =	ssyncadd.s32 $0xFFFFD880  }
0xe: {  	[tilespmem:s3], [sflag:$0x3] =	stream.linear.gather [hbm4b:s8+s3], $0x400, $0x38;
	[tilespmem:$0x1C000] =	vst v63  }
0xf: {  	_ =	swait.ge [sflag:s6], $0x400  }
0x10: {  	s9 =	sshll.u32 s9, $0xE;
	[sflag:s6] =	ssyncset.done $0x0  }
0x11: {  	s25 =	sadd.s32 s9, s29;
	[sflag:s6] =	ssyncadd.s32 $0xFFFFFC00  }
0x12: {  	s10 =	simm.s32 $0x400;
	s9 =	sadd.s32 $0x1C00, s25;
	[bflag:$0x0] =	sbarrier.arrive $0xFFFF  }
0x13: {  	[tilespmem:s10], [sflag:$0x1] =	stream.linear.gather [hbm4b:s9+s3], $0x4000, $0x38;
	[tilespmem:$0x1C000] =	vst v63  }
0x14: {  	s12 =	simm.s32 $0x4400;
	s13 =	simm.s32 $0x1;
	s11 =	sadd.s32 $0x2400, s25  }
0x15: {  	[tilespmem:s12], [sflag:$0x2] =	stream.linear.gather [hbm4b:s11+s3], $0x4000, $0x38;
	[tilespmem:$0x1C000] =	vst v63  }
0x16: {  	_ =	swait.ge [sflag:s13], $0x4000  }
0x17: {  	[sflag:s13] =	ssyncset.done $0x0  }
0x18: {  	s14 =	simm.s32 $0x80;
	[sflag:s13] =	ssyncadd.s32 $0xFFFFC000  }
0x19: {  	[spmem:s2] =	stream.indirect.scatter.add.f32 [tilespmem:s10], [sflag:$0x3], $0x80, s3, s14, $0xb8;
	[tilespmem:$0x1C000] =	vst v63  }
0x1a: {  	_ =	swait.ge [sflag:s6], $0x4000  }
0x1b: {  	[sflag:s6] =	ssyncset.done $0x0  }
0x1c: {  	s16 =	simm.s32 $0x2;
	s15 =	sadd.s32 $0x2C00, s25;
	[sflag:s6] =	ssyncadd.s32 $0xFFFFC000  }
0x1d: {  	[tilespmem:s10], [sflag:$0x1] =	stream.linear.gather [hbm4b:s15+s3], $0x4000, $0x38;
	[tilespmem:$0x1C000] =	vst v63  }
0x1e: {  	_ =	swait.ge [sflag:s16], $0x4000  }
0x1f: {  	[sflag:s16] =	ssyncset.done $0x0  }
0x20: {  	[sflag:s16] =	ssyncadd.s32 $0xFFFFC000  }
0x21: {  	[spmem:s2] =	stream.indirect.scatter.add.f32 [tilespmem:s12], [sflag:$0x3], $0x80, s14, s14, $0xb8;
	[tilespmem:$0x1C000] =	vst v63  }
0x22: {  	_ =	swait.ge [sflag:s6], $0x4000  }
0x23: {  	[sflag:s6] =	ssyncset.done $0x0  }
0x24: {  	s17 =	sadd.s32 $0x3400, s25;
	[sflag:s6] =	ssyncadd.s32 $0xFFFFC000  }
0x25: {  	[tilespmem:s12], [sflag:$0x2] =	stream.linear.gather [hbm4b:s17+s3], $0x4000, $0x38;
	[tilespmem:$0x1C000] =	vst v63  }
0x26: {  	_ =	swait.ge [sflag:s13], $0x4000  }
0x27: {  	[sflag:s13] =	ssyncset.done $0x0  }
0x28: {  	s18 =	simm.s32 $0x100;
	[sflag:s13] =	ssyncadd.s32 $0xFFFFC000  }
0x29: {  	[spmem:s2] =	stream.indirect.scatter.add.f32 [tilespmem:s10], [sflag:$0x3], $0x80, s18, s14, $0xb8;
	[tilespmem:$0x1C000] =	vst v63  }
0x2a: {  	_ =	swait.ge [sflag:s6], $0x4000  }
0x2b: {  	[sflag:s6] =	ssyncset.done $0x0  }
0x2c: {  	s19 =	sadd.s32 $0x3C00, s25;
	[sflag:s6] =	ssyncadd.s32 $0xFFFFC000  }
0x2d: {  	[tilespmem:s10], [sflag:$0x1] =	stream.linear.gather [hbm4b:s19+s3], $0x4000, $0x38;
	[tilespmem:$0x1C000] =	vst v63  }
0x2e: {  	_ =	swait.ge [sflag:s16], $0x4000  }
0x2f: {  	[sflag:s16] =	ssyncset.done $0x0  }
0x30: {  	s20 =	simm.s32 $0x180;
	[sflag:s16] =	ssyncadd.s32 $0xFFFFC000  }
0x31: {  	[spmem:s2] =	stream.indirect.scatter.add.f32 [tilespmem:s12], [sflag:$0x3], $0x80, s20, s14, $0xb8;
	[tilespmem:$0x1C000] =	vst v63  }
0x32: {  	_ =	swait.ge [sflag:s6], $0x4000  }
0x33: {  	[sflag:s6] =	ssyncset.done $0x0  }
0x34: {  	s21 =	sadd.s32 $0x4400, s25;
	[sflag:s6] =	ssyncadd.s32 $0xFFFFC000  }
0x35: {  	[tilespmem:s12], [sflag:$0x2] =	stream.linear.gather [hbm4b:s21+s3], $0x4000, $0x38;
	[tilespmem:$0x1C000] =	vst v63  }
0x36: {  	_ =	swait.ge [sflag:s13], $0x4000  }
0x37: {  	[sflag:s13] =	ssyncset.done $0x0  }
0x38: {  	s22 =	simm.s32 $0x200;
	[sflag:s13] =	ssyncadd.s32 $0xFFFFC000  }
0x39: {  	[spmem:s2] =	stream.indirect.scatter.add.f32 [tilespmem:s10], [sflag:$0x3], $0x80, s22, s14, $0xb8;
	[tilespmem:$0x1C000] =	vst v63  }
0x3a: {  	_ =	swait.ge [sflag:s6], $0x4000  }
0x3b: {  	[sflag:s6] =	ssyncset.done $0x0  }
0x3c: {  	s23 =	sadd.s32 $0x4C00, s25;
	[sflag:s6] =	ssyncadd.s32 $0xFFFFC000  }
0x3d: {  	[tilespmem:s10], [sflag:$0x1] =	stream.linear.gather [hbm4b:s23+s3], $0x4000, $0x38;
	[tilespmem:$0x1C000] =	vst v63  }
0x3e: {  	_ =	swait.ge [sflag:s16], $0x4000  }
0x3f: {  	[sflag:s16] =	ssyncset.done $0x0  }
0x40: {  	s24 =	simm.s32 $0x280;
	[sflag:s16] =	ssyncadd.s32 $0xFFFFC000  }
0x41: {  	[spmem:s2] =	stream.indirect.scatter.add.f32 [tilespmem:s12], [sflag:$0x3], $0x80, s24, s14, $0xb8;
	[tilespmem:$0x1C000] =	vst v63  }
0x42: {  	_ =	swait.ge [sflag:s6], $0x4000  }
0x43: {  	[sflag:s6] =	ssyncset.done $0x0  }
0x44: {  	s25 =	sadd.s32 $0x5400, s25;
	[sflag:s6] =	ssyncadd.s32 $0xFFFFC000  }
0x45: {  	[tilespmem:s12], [sflag:$0x2] =	stream.linear.gather [hbm4b:s25+s3], $0x4000, $0x38;
	[tilespmem:$0x1C000] =	vst v63  }
0x46: {  	_ =	swait.ge [sflag:s13], $0x4000  }
0x47: {  	[sflag:s13] =	ssyncset.done $0x0  }
0x48: {  	s26 =	simm.s32 $0x300;
	[sflag:s13] =	ssyncadd.s32 $0xFFFFC000  }
0x49: {  	[spmem:s2] =	stream.indirect.scatter.add.f32 [tilespmem:s10], [sflag:$0x3], $0x80, s26, s14, $0xb8;
	[tilespmem:$0x1C000] =	vst v63  }
0x4a: {  	_ =	swait.ge [sflag:s6], $0x4000  }
0x4b: {  	[sflag:s6] =	ssyncset.done $0x0  }
0x4c: {  	[sflag:s6] =	ssyncadd.s32 $0xFFFFC000  }
0x4d: {  	[tilespmem:s10], [sflag:$0x1] =	stream.linear.gather [hbm4b:s9+s3], $0x4000, $0x38;
	[tilespmem:$0x1C000] =	vst v63  }
0x4e: {  	_ =	swait.ge [sflag:s16], $0x4000  }
0x4f: {  	[sflag:s16] =	ssyncset.done $0x0  }
0x50: {  	s28 =	simm.s32 $0x380;
	[sflag:s16] =	ssyncadd.s32 $0xFFFFC000  }
0x51: {  	[spmem:s2] =	stream.indirect.scatter.add.f32 [tilespmem:s12], [sflag:$0x3], $0x80, s28, s14, $0xb8;
	[tilespmem:$0x1C000] =	vst v63  }
0x52: {  	_ =	swait.ge [sflag:s6], $0x4000  }
0x53: {  	[sflag:s6] =	ssyncset.done $0x0  }
0x54: {  	s0 =	smul.u32 $0x13C000, s31;
	[sflag:s6] =	ssyncadd.s32 $0xFFFFC000  }
0x55: {  	[tilespmem:s12], [sflag:$0x2] =	stream.linear.gather [hbm4b:s11+s3], $0x4000, $0x38;
	[tilespmem:$0x1C000] =	vst v63  }
0x56: {  	s0 =	sadd.s32 s30, s0;
	s30 =	ssub.s32 $0x2, s31;
	_ =	swait.ge [sflag:s13], $0x4000  }
0x57: {  	s31 =	sshrl.u32 s30, $0x1;
	[sflag:s13] =	ssyncset.done $0x0  }
0x58: {  	s30 =	ssub.s32 s30, s31;
	[sflag:s13] =	ssyncadd.s32 $0xFFFFC000  }
0x59: {  	s31 =	smax.u32 s30, $0x1;
	_ =	swait.ge [sflag:s16], $0x4000  }
0x5a: {  	s0 =	sshrl.u32 s0, $0x3;
	p0 =	sne.s32 s31, $0x1;
	[sflag:s16] =	ssyncset.done $0x0  }
.Ltmp0:
0x5b: {  	s0 =	sadd.s32 s0, s29;
	[sflag:s16] =	ssyncadd.s32 $0xFFFFC000;
	(pc) =	sbr.rel @!p0 .LBB2_2-.Ltmp0, $4  }
0x5c: {  	s29 =	sadd.s32 $0xA9400, s0;
	[bflag:$0x0] =	sbarrier.arrive $0xFFFF  }
0x5d: {  	[hbm:s29], [sflag:s5] =	dma.local [spmem:s7], $0x2780  }
0x5e: {  	_ =	swait.ge [sflag:s6], $0x2780  }
0x5f: {  	s30 =	sadd.s32 $0xFFFFFFFF, s31;
	[sflag:s6] =	ssyncset.done $0x0  }
.LBB2_1:
0x60: {  	p0 =	sne.s32 s30, $0x1;
	s30 =	sadd.s32 $0xFFFFFFFF, s30;
	[sflag:s6] =	ssyncadd.s32 $0xFFFFD880  }
0x61: {  	[spmem:s7], [sflag:s5] =	dma.local [hbm:s4], $0x2780  }
0x62: {  	_ =	swait.ge [sflag:s6], $0x2780  }
0x63: {  	[sflag:s6] =	ssyncset.done $0x0  }
0x64: {  	[sflag:s6] =	ssyncadd.s32 $0xFFFFD880  }
0x65: {  	[tilespmem:s3], [sflag:$0x3] =	stream.linear.gather [hbm4b:s8+s3], $0x400, $0x38;
	[tilespmem:$0x1C000] =	vst v63  }
0x66: {  	_ =	swait.ge [sflag:s6], $0x400  }
0x67: {  	[sflag:s6] =	ssyncset.done $0x0  }
0x68: {  	[sflag:s6] =	ssyncadd.s32 $0xFFFFFC00  }
0x69: {  	[bflag:$0x0] =	sbarrier.arrive $0xFFFF  }
0x6a: {  	[tilespmem:s10], [sflag:$0x1] =	stream.linear.gather [hbm4b:s9+s3], $0x4000, $0x38;
	[tilespmem:$0x1C000] =	vst v63  }
0x6b: {  	_ = 	snop  }
0x6c: {  	[tilespmem:s12], [sflag:$0x2] =	stream.linear.gather [hbm4b:s11+s3], $0x4000, $0x38;
	[tilespmem:$0x1C000] =	vst v63  }
0x6d: {  	_ =	swait.ge [sflag:s13], $0x4000  }
0x6e: {  	[sflag:s13] =	ssyncset.done $0x0  }
0x6f: {  	[sflag:s13] =	ssyncadd.s32 $0xFFFFC000  }
0x70: {  	[spmem:s2] =	stream.indirect.scatter.add.f32 [tilespmem:s10], [sflag:$0x3], $0x80, s3, s14, $0xb8;
	[tilespmem:$0x1C000] =	vst v63  }
0x71: {  	_ =	swait.ge [sflag:s6], $0x4000  }
0x72: {  	[sflag:s6] =	ssyncset.done $0x0  }
0x73: {  	[sflag:s6] =	ssyncadd.s32 $0xFFFFC000  }
0x74: {  	[tilespmem:s10], [sflag:$0x1] =	stream.linear.gather [hbm4b:s15+s3], $0x4000, $0x38;
	[tilespmem:$0x1C000] =	vst v63  }
0x75: {  	_ =	swait.ge [sflag:s16], $0x4000  }
0x76: {  	[sflag:s16] =	ssyncset.done $0x0  }
0x77: {  	[sflag:s16] =	ssyncadd.s32 $0xFFFFC000  }
0x78: {  	[spmem:s2] =	stream.indirect.scatter.add.f32 [tilespmem:s12], [sflag:$0x3], $0x80, s14, s14, $0xb8;
	[tilespmem:$0x1C000] =	vst v63  }
0x79: {  	_ =	swait.ge [sflag:s6], $0x4000  }
0x7a: {  	[sflag:s6] =	ssyncset.done $0x0  }
0x7b: {  	[sflag:s6] =	ssyncadd.s32 $0xFFFFC000  }
0x7c: {  	[tilespmem:s12], [sflag:$0x2] =	stream.linear.gather [hbm4b:s17+s3], $0x4000, $0x38;
	[tilespmem:$0x1C000] =	vst v63  }
0x7d: {  	_ =	swait.ge [sflag:s13], $0x4000  }
0x7e: {  	[sflag:s13] =	ssyncset.done $0x0  }
0x7f: {  	[sflag:s13] =	ssyncadd.s32 $0xFFFFC000  }
0x80: {  	[spmem:s2] =	stream.indirect.scatter.add.f32 [tilespmem:s10], [sflag:$0x3], $0x80, s18, s14, $0xb8;
	[tilespmem:$0x1C000] =	vst v63  }
0x81: {  	_ =	swait.ge [sflag:s6], $0x4000  }
0x82: {  	[sflag:s6] =	ssyncset.done $0x0  }
0x83: {  	[sflag:s6] =	ssyncadd.s32 $0xFFFFC000  }
0x84: {  	[tilespmem:s10], [sflag:$0x1] =	stream.linear.gather [hbm4b:s19+s3], $0x4000, $0x38;
	[tilespmem:$0x1C000] =	vst v63  }
0x85: {  	_ =	swait.ge [sflag:s16], $0x4000  }
0x86: {  	[sflag:s16] =	ssyncset.done $0x0  }
0x87: {  	[sflag:s16] =	ssyncadd.s32 $0xFFFFC000  }
0x88: {  	[spmem:s2] =	stream.indirect.scatter.add.f32 [tilespmem:s12], [sflag:$0x3], $0x80, s20, s14, $0xb8;
	[tilespmem:$0x1C000] =	vst v63  }
0x89: {  	_ =	swait.ge [sflag:s6], $0x4000  }
0x8a: {  	[sflag:s6] =	ssyncset.done $0x0  }
0x8b: {  	[sflag:s6] =	ssyncadd.s32 $0xFFFFC000  }
0x8c: {  	[tilespmem:s12], [sflag:$0x2] =	stream.linear.gather [hbm4b:s21+s3], $0x4000, $0x38;
	[tilespmem:$0x1C000] =	vst v63  }
0x8d: {  	_ =	swait.ge [sflag:s13], $0x4000  }
0x8e: {  	[sflag:s13] =	ssyncset.done $0x0  }
0x8f: {  	[sflag:s13] =	ssyncadd.s32 $0xFFFFC000  }
0x90: {  	[spmem:s2] =	stream.indirect.scatter.add.f32 [tilespmem:s10], [sflag:$0x3], $0x80, s22, s14, $0xb8;
	[tilespmem:$0x1C000] =	vst v63  }
0x91: {  	_ =	swait.ge [sflag:s6], $0x4000  }
0x92: {  	[sflag:s6] =	ssyncset.done $0x0  }
0x93: {  	[sflag:s6] =	ssyncadd.s32 $0xFFFFC000  }
0x94: {  	[tilespmem:s10], [sflag:$0x1] =	stream.linear.gather [hbm4b:s23+s3], $0x4000, $0x38;
	[tilespmem:$0x1C000] =	vst v63  }
0x95: {  	_ =	swait.ge [sflag:s16], $0x4000  }
0x96: {  	[sflag:s16] =	ssyncset.done $0x0  }
0x97: {  	[sflag:s16] =	ssyncadd.s32 $0xFFFFC000  }
0x98: {  	[spmem:s2] =	stream.indirect.scatter.add.f32 [tilespmem:s12], [sflag:$0x3], $0x80, s24, s14, $0xb8;
	[tilespmem:$0x1C000] =	vst v63  }
0x99: {  	_ =	swait.ge [sflag:s6], $0x4000  }
0x9a: {  	[sflag:s6] =	ssyncset.done $0x0  }
0x9b: {  	[sflag:s6] =	ssyncadd.s32 $0xFFFFC000  }
0x9c: {  	[tilespmem:s12], [sflag:$0x2] =	stream.linear.gather [hbm4b:s25+s3], $0x4000, $0x38;
	[tilespmem:$0x1C000] =	vst v63  }
0x9d: {  	_ =	swait.ge [sflag:s13], $0x4000  }
0x9e: {  	[sflag:s13] =	ssyncset.done $0x0  }
0x9f: {  	[sflag:s13] =	ssyncadd.s32 $0xFFFFC000  }
0xa0: {  	[spmem:s2] =	stream.indirect.scatter.add.f32 [tilespmem:s10], [sflag:$0x3], $0x80, s26, s14, $0xb8;
	[tilespmem:$0x1C000] =	vst v63  }
0xa1: {  	_ =	swait.ge [sflag:s6], $0x4000  }
0xa2: {  	[sflag:s6] =	ssyncset.done $0x0  }
0xa3: {  	[sflag:s6] =	ssyncadd.s32 $0xFFFFC000  }
0xa4: {  	[tilespmem:s10], [sflag:$0x1] =	stream.linear.gather [hbm4b:s9+s3], $0x4000, $0x38;
	[tilespmem:$0x1C000] =	vst v63  }
0xa5: {  	_ =	swait.ge [sflag:s16], $0x4000  }
0xa6: {  	[sflag:s16] =	ssyncset.done $0x0  }
0xa7: {  	[sflag:s16] =	ssyncadd.s32 $0xFFFFC000  }
0xa8: {  	[spmem:s2] =	stream.indirect.scatter.add.f32 [tilespmem:s12], [sflag:$0x3], $0x80, s28, s14, $0xb8;
	[tilespmem:$0x1C000] =	vst v63  }
0xa9: {  	_ =	swait.ge [sflag:s6], $0x4000  }
0xaa: {  	[sflag:s6] =	ssyncset.done $0x0  }
0xab: {  	[sflag:s6] =	ssyncadd.s32 $0xFFFFC000  }
0xac: {  	[tilespmem:s12], [sflag:$0x2] =	stream.linear.gather [hbm4b:s11+s3], $0x4000, $0x38;
	[tilespmem:$0x1C000] =	vst v63  }
0xad: {  	_ =	swait.ge [sflag:s13], $0x4000  }
0xae: {  	[sflag:s13] =	ssyncset.done $0x0  }
0xaf: {  	[sflag:s13] =	ssyncadd.s32 $0xFFFFC000  }
0xb0: {  	_ =	swait.ge [sflag:s16], $0x4000  }
0xb1: {  	[sflag:s16] =	ssyncset.done $0x0  }
.Ltmp1:
0xb2: {  	[sflag:s16] =	ssyncadd.s32 $0xFFFFC000;
	(pc) =	sbr.rel @p0 .LBB2_1-.Ltmp1, $4  }
0xb3: {  	[bflag:$0x0] =	sbarrier.arrive $0xFFFF  }
0xb4: {  	[hbm:s29], [sflag:s5] =	dma.local [spmem:s7], $0x2780  }
0xb5: {  	_ =	swait.ge [sflag:s6], $0x2780  }
0xb6: {  	[sflag:s6] =	ssyncset.done $0x0  }
.LBB2_2:
0xb7: {  	[sflag:s6] =	ssyncadd.s32 $0xFFFFD880  }
0xb8: {  	_ =	sfence.sel $0x180000  }
0xb9: {  	[bflag:$0x0] =	sbarrier.arrive $0xFFFF  }
0xba: {  	_ =	strace $0x90000047  }
0xbb: {  	[bflag:$0x2] =	sbarrier.arrive $0xFFFF  }
0xbc: {  	p0 =	sne.s32 s1, $0x0;
	s0 =	rddreg [dreg:$0x3]  }
0xbd: {  	s0 =	sadd.s32 @!p0 $0x100000, s0  }
0xbe: {  	[sflag:s0] =	ssyncadd.tile.s32 @!p0 $0x1;
	_ =	shalt  }
.Lfunc_end2:
_tile_overlayer_lowered:
.L_overlay_start_2:
0xbf: {  	(tag) =	ssettag $0x2  }
0xc0: {  	s0 =	rddreg [dreg:$0x0];
	s2 =	stileid.u32  }
0xc1: {  	s1 =	rddreg [dreg:$0x1];
	p0 =	sne.s32 s2, $0x0  }
0xc2: {  	s3 =	rddreg [dreg:$0x2];
	[bflag:$0x3] =	sbarrier.arrive $0xFFFF;
	s2 =	simm.s32 @!p0 $0x1C03  }
0xc3: {  	[timem:s3], [sflag:s2] =	dma.local @!p0 [hbm:s0], s1  }
0xc4: {  	s0 =	simm.s32 @!p0 $0x3  }
0xc5: {  	_ =	swait.ge @!p0 [sflag:s0], s1  }
0xc6: {  	s1 =	ssub.s32 @!p0 $0x0, s1;
	[sflag:s0] =	ssyncset.done @!p0 $0x0  }
0xc7: {  	[sflag:s0] =	ssyncadd.s32 @!p0 s1  }
0xc8: {  	[bflag:$0x3] =	sbarrier.arrive $0xFFFF  }
0xc9: {  	_ =	shalt  }

// kernel: kernel.14.cloned.1.call-start
scs
__scs_entry_jumppad:
0x0: {  	(pc) =	sbr.rel $0x88, $3  }
0x1: {  	(tag) =	ssettag $0x0;
	lr =	simm.s32 $0x1  }
0x2: {  	[smem:$0x3F9B] =	sst lr;
	_ =	strace $0xD0000000  }
0x3: {  	_ = 	snop  }
0x4: {  	_ = 	snop  }
0x5: {  	_ = 	snop  }
0x6: {  	_ = 	snop  }
0x7: {  	_ = 	snop  }
__scs_overlays_trampoline_lowered:
0x8: {  	[smem:$0x3FAA] =	sst s0  }
0x9: {  	[smem:$0x3FAB] =	sst s1  }
0xa: {  	[smem:$0x3FAC] =	sst s2  }
0xb: {  	[smem:$0x3FAD] =	sst s3  }
0xc: {  	[smem:$0x3FAE] =	sst s4  }
0xd: {  	[smem:$0x3FAF] =	sst s5  }
0xe: {  	[smem:$0x3FB0] =	sst s6  }
0xf: {  	[smem:$0x3FB1] =	sst s7  }
0x10: {  	[smem:$0x3FB2] =	sst s8  }
0x11: {  	[smem:$0x3FB3] =	sst s9;
	s0 =	simm.s32 @!p0 $0x0  }
0x12: {  	s1 =	sld [smem:$0x3F99];
	s0 =	simm.s32 @p0 $0x1  }
0x13: {  	[smem:$0x3FB4] =	sst s0;
	s0 =	simm.s32 @!p1 $0x0  }
0x14: {  	s2 =	sld [smem:$0x3F98];
	s0 =	simm.s32 @p1 $0x1  }
0x15: {  	[smem:$0x3FB5] =	sst s0;
	s0 =	simm.s32 @!p2 $0x0  }
0x16: {  	s3 =	sld [smem:$0x3FDB];
	s0 =	simm.s32 @p2 $0x1  }
0x17: {  	s4 =	simm.s32 $0x1BF5;
	[smem:$0x3FB7] =	sst s0  }
0x18: {  	s0 =	sld [smem:$0x3F9A];
	_ =	swait.ge [sflag:s4], $0x0  }
0x19: {  	s7 =	sld [smem:$0x3F9B]  }
0x1a: {  	s8 =	sadd.s32 $0xFFFFE003, lr  }
0x1b: {  	s9 =	sadd.s32 $0xFFFFFEF7, lr;
	s5 =	simm.s32 $0xFFFFFFFF;
	p2 =	slt.u32 s8, $0xFFFFF086  }
0x1c: {  	p1 =	slt.u32 s9, $0xF7A;
	s5 =	simm.s32 @!p2 $0x0  }
0x1d: {  	s5 =	simm.s32 @p1 $0x1;
	p0 =	seq.s32 s7, s2  }
0x1e: {  	s7 =	smul.u32 @!p0 $0xF7A, s2;
	p2 =	seq.s32 @!p0 s5, $0x0  }
0x1f: {  	s9 =	smul.u32 $0xF7A, s1;
	s8 =	simm.s32 @!p0 $0x1BF5;
	p2 =	por !p2, p0  }
0x20: {  	[sflag:s8] =	ssyncset.s32 @!p0 $0xFFFFF086;
	s6 =	sadd.s32 @!p0 s3, s7;
	s7 =	simm.s32 @!p0 $0x108  }
0x21: {  	s3 =	sadd.s32 s3, s9;
	s6 =	sadd.s32 @!p0 $0x88, s6;
	s7 =	simm.s32 @p2 $0x1082  }
0x22: {  	[simem:s7], [sflag:s8] =	dma.local @!p0 [hbm:s6], $0xF7A  }
0x23: {  	s9 =	sor.u32 $0xD0000000, s2;
	s6 =	simm.s32 $0x108;
	_ =	swait.ge @!p0 [sflag:s8], $0x0  }
0x24: {  	s3 =	sadd.s32 $0x88, s3;
	s6 =	simm.s32 @!p1 $0x1082;
	[sflag:s4] =	ssyncset.s32 $0xFFFFF086  }
0x25: {  	[simem:s6], [sflag:s4] =	dma.local [hbm:s3], $0xF7A  }
0x26: {  	[smem:$0x3F9B] =	sst s1;
	(tag) =	ssettag s2;
	_ =	strace s9  }
0x27: {  	s1 =	sld [smem:$0x3FAB]  }
0x28: {  	s2 =	sld [smem:$0x3FAC]  }
0x29: {  	s4 =	sld [smem:$0x3FAE]  }
0x2a: {  	p0 =	seq.s32 s5, $0x0;
	s5 =	sld [smem:$0x3FAF]  }
0x2b: {  	s6 =	sld [smem:$0x3FB0]  }
0x2c: {  	s7 =	sld [smem:$0x3FB1]  }
0x2d: {  	s3 =	simm.s32 $0x108;
	s8 =	sld [smem:$0x3FB2]  }
0x2e: {  	s3 =	simm.s32 @!p0 $0x1082;
	s9 =	sld [smem:$0x3FB3]  }
0x2f: {  	lr =	sadd.s32 s0, s3;
	s0 =	sld [smem:$0x3FAA]  }
0x30: {  	s3 =	sld [smem:$0x3FAD]  }
0x31: {  	[smem:$0x3FB6] =	sst s10  }
0x32: {  	s10 =	sld [smem:$0x3FB4];
	_ =	sdelay $0x3  }
0x33: {  	p0 =	seq.s32 s10, $0x1;
	s10 =	sld [smem:$0x3FB6];
	_ =	sdelay $0x3  }
0x34: {  	[smem:$0x3FB6] =	sst s10  }
0x35: {  	s10 =	sld [smem:$0x3FB5];
	_ =	sdelay $0x3  }
0x36: {  	p1 =	seq.s32 s10, $0x1;
	s10 =	sld [smem:$0x3FB6];
	_ =	sdelay $0x3  }
0x37: {  	[smem:$0x3FB6] =	sst s10  }
0x38: {  	s10 =	sld [smem:$0x3FB7]  }
0x39: {  	_ = 	snop;
	(pc) =	sbr.ind lr, $3  }
0x3a: {  	_ = 	snop  }
0x3b: {  	_ = 	snop  }
0x3c: {  	p2 =	seq.s32 s10, $0x1;
	s10 =	sld [smem:$0x3FB6]  }
0x3d: {  	_ =	shalt  }
0x3e: {  	_ =	shalt  }
0x3f: {  	_ =	shalt  }
0x40: {  	_ =	shalt  }
0x41: {  	_ =	shalt  }
0x42: {  	_ =	shalt  }
0x43: {  	_ =	shalt  }
0x44: {  	_ =	shalt  }
0x45: {  	_ =	shalt  }
0x46: {  	_ =	shalt  }
0x47: {  	_ =	shalt  }
0x48: {  	_ =	shalt  }
0x49: {  	_ =	shalt  }
0x4a: {  	_ =	shalt  }
0x4b: {  	_ =	shalt  }
0x4c: {  	_ =	shalt  }
0x4d: {  	_ =	shalt  }
0x4e: {  	_ =	shalt  }
0x4f: {  	_ =	shalt  }
0x50: {  	_ =	shalt  }
0x51: {  	_ =	shalt  }
0x52: {  	_ =	shalt  }
0x53: {  	_ =	shalt  }
0x54: {  	_ =	shalt  }
0x55: {  	_ =	shalt  }
0x56: {  	_ =	shalt  }
0x57: {  	_ =	shalt  }
0x58: {  	_ =	shalt  }
0x59: {  	_ =	shalt  }
0x5a: {  	_ =	shalt  }
0x5b: {  	_ =	shalt  }
0x5c: {  	_ =	shalt  }
0x5d: {  	_ =	shalt  }
0x5e: {  	_ =	shalt  }
0x5f: {  	_ =	shalt  }
0x60: {  	_ =	shalt  }
0x61: {  	_ =	shalt  }
0x62: {  	_ =	shalt  }
0x63: {  	_ =	shalt  }
0x64: {  	_ =	shalt  }
0x65: {  	_ =	shalt  }
0x66: {  	_ =	shalt  }
0x67: {  	_ =	shalt  }
0x68: {  	_ =	shalt  }
0x69: {  	_ =	shalt  }
0x6a: {  	_ =	shalt  }
0x6b: {  	_ =	shalt  }
0x6c: {  	_ =	shalt  }
0x6d: {  	_ =	shalt  }
0x6e: {  	_ =	shalt  }
0x6f: {  	_ =	shalt  }
0x70: {  	_ =	shalt  }
0x71: {  	_ =	shalt  }
0x72: {  	_ =	shalt  }
0x73: {  	_ =	shalt  }
0x74: {  	_ =	shalt  }
0x75: {  	_ =	shalt  }
0x76: {  	_ =	shalt  }
0x77: {  	_ =	shalt  }
0x78: {  	_ =	shalt  }
0x79: {  	_ =	shalt  }
0x7a: {  	_ =	shalt  }
0x7b: {  	_ =	shalt  }
0x7c: {  	_ =	shalt  }
0x7d: {  	_ =	shalt  }
0x7e: {  	_ =	shalt  }
0x7f: {  	_ =	shalt  }
0x80: {  	_ =	shalt  }
0x81: {  	_ =	shalt  }
0x82: {  	_ =	shalt  }
0x83: {  	_ =	shalt  }
0x84: {  	_ =	shalt  }
0x85: {  	_ =	shalt  }
0x86: {  	_ =	shalt  }
0x87: {  	_ =	shalt  }
.Lfunc_end0:
.L_simem_size_0:
called_computation.1_lowered:
.L_overlay_start_0:
0x88: {  	s2 =	sld [smem:$0x3FD9]  }
0x89: {  	s3 =	sld [smem:$0x3FFE];
	_ =	sdelay $0x1  }
0x8a: {  	s1 =	srdreg.scid  }
0x8b: {  	s0 =	sand.u32 $0x1, s1  }
0x8c: {  	s17 =	sshll.u32 s0, $0xA;
	s2 =	sadd.s32 s3, s2  }
0x8d: {  	s2 =	sadd.s32 s2, s17  }
0x8e: {  	[smem:$0x3FC2] =	sst s2  }
0x8f: {  	_ = 	snop  }
0x90: {  	s2 =	sld [smem:$0x3FD0];
	(tm) =	ssettm $0x1  }
0x91: {  	s18 =	sld [smem:$0x3FFB];
	_ =	sdelay $0x3  }
0x92: {  	_ =	strace s18  }
0x93: {  	s3 =	sld [smem:$0x3FFC];
	_ =	sdelay $0x3  }
0x94: {  	_ =	strace s3  }
0x95: {  	s3 =	sld [smem:$0x3FFD];
	_ =	sdelay $0x3  }
0x96: {  	_ =	strace s3  }
0x97: {  	_ =	strace $0x8FFFFFFF  }
0x98: {  	s19 =	sld [smem:$0x3FDB];
	_ =	sdelay $0x1  }
0x99: {  	s4 =	simm.s32 $_scs_section_size  }
0x9a: {  	s5 =	simm.s32 $_size__tile_overlayer_lowered;
	s6 =	simm.s32 $_tile_overlayer_lowered  }
0x9b: {  	s22 =	simm.s32 $0x1BFF;
	s21 =	sshll.u32 s6, $0x1;
	s3 =	sadd.s32 s4, s19  }
0x9c: {  	s7 =	simm.s32 $0x0;
	s20 =	sshll.u32 s5, $0x1;
	s5 =	sadd.s32 s21, s3  }
0x9d: {  	[timem:s7], [sflag:s22] =	dma.local [hbm:s5], s20  }
0x9e: {  	_ =	swait.ge [sflag:s22], s20  }
0x9f: {  	s4 =	ssub.s32 $0x0, s20;
	[sflag:s22] =	ssyncset.done $0x0  }
0xa0: {  	[sflag:s22] =	ssyncadd.s32 s4;
	_ =	sdelay $0x1  }
0xa1: {  	s23 =	simm.s32 $0x1B8B  }
0xa2: {  	_ =	swait.ge [sflag:s23], $0x1  }
0xa3: {  	[sflag:s23] =	ssyncset.done $0x0  }
0xa4: {  	s25 =	simm.s32 $0x1B8E;
	s24 =	sld [smem:$0x3FFE];
	[sflag:s23] =	ssyncadd.s32 $0xFFFFFFFF  }
0xa5: {  	s26 =	simm.s32 $execute0_lowered;
	[smem:$0x3FD2] =	sst s25  }
0xa6: {  	s5 =	sshll.u32 s26, $0x1;
	_ =	strace $0x80000049;
	[dreg:$0x1] =	wrdreg $0xFFFFFFFF  }
0xa7: {  	s28 =	simm.s32 $_size_execute0_lowered;
	s3 =	sadd.s32 s3, s5;
	[dreg:$0x0] =	wrdreg $0x0  }
0xa8: {  	s5 =	sshll.u32 s28, $0x1;
	[dreg:$0x2] =	wrdreg s3  }
0xa9: {  	[dreg:$0x3] =	wrdreg s5  }
0xaa: {  	[dreg:$0x4] =	wrdreg $0xC0  }
0xab: {  	_ =	task [dreg:s7], $0x5FFFF  }
0xac: {  	[dreg:$0x1] =	wrdreg $0xFFFFFFFF  }
0xad: {  	[dreg:$0x0] =	wrdreg $0x60  }
0xae: {  	[dreg:$0x2] =	wrdreg s24  }
0xaf: {  	[dreg:$0x3] =	wrdreg s2  }
0xb0: {  	[dreg:$0x4] =	wrdreg $0x8C000  }
0xb1: {  	[dreg:$0x5] =	wrdreg $0x9  }
0xb2: {  	_ =	task.clear_ibuf [dreg:s7], $0x6FFFF;
	_ =	strace $0x90000049  }
0xb3: {  	s29 =	simm.s32 $0x9;
	_ =	strace $0x8000004B  }
0xb4: {  	_ =	swait.ge [sflag:s29], $0x1  }
0xb5: {  	[sflag:s29] =	ssyncadd.s32 $0xFFFFFFFF  }
0xb6: {  	_ =	strace $0x9000004B  }
0xb7: {  	_ =	sfence  }
0xb8: {  	s30 =	sld [smem:$0x0];
	_ =	sdelay $0x2  }
0xb9: {  	s31 =	sshll.u32 s1, $0xD;
	s1 =	sshrl.u32 s1, $0x2  }
0xba: {  	s3 =	sand.u32 $0x4000, s31;
	s1 =	sadd.s32 s1, s30  }
0xbb: {  	s0 =	sor.u32 s3, s0;
	s1 =	sshll.u32 s1, $0x11  }
0xbc: {  	s0 =	sor.u32 s1, s0  }
0xbd: {  	s0 =	sadd.s32 $0x8F2B, s0  }
0xbe: {  	[sflag:s0] =	ssyncadd.remote.s32 $0x1  }
0xbf: {  	_ =	sfence.sel $0xFFFF  }
0xc0: {  	[dreg:$0x0] =	wrdreg $0xFFFFFFFF;
	(pc) =	sbr.abs _section_cstart, $3  }
0xc1: {  	[dreg:$0x1] =	wrdreg $0xFFFFFFFF  }
0xc2: {  	_ =	task.clear_ibuf [dreg:s7], $0x2FFFF;
	_ =	strace $0x9FFFFFFF  }
0xc3: {  	(tm) =	ssettm $0x7FFFFFFF  }
tec
execute0_lowered:
.L_overlay_start_1:
0x0: {  	(tag) =	ssettag $0x1  }
0x1: {  	s4 =	rddreg [dreg:$0x0]  }
0x2: {  	s6 =	rddreg [dreg:$0x1]  }
0x3: {  	s2 =	rddreg [dreg:$0x2]  }
0x4: {  	s0 =	srdreg.scid;
	s1 =	rddreg [dreg:$0x3];
	s3 =	simm.s32 $0x0  }
0x5: {  	s15 =	simm.s32 $0x4C00;
	s16 =	simm.s32 $0x1;
	s17 =	simm.s32 $0x80  }
0x6: {  	s18 =	simm.s32 $0x2;
	s19 =	simm.s32 $0xB00;
	s5 =	sand.u32 $0x1, s0  }
0x7: {  	s20 =	simm.s32 $0xB80;
	s0 =	stileid.u32;
	s7 =	smul.u32 $0x13C000, s5  }
0x8: {  	s21 =	simm.s32 $0x0;
	[smem:$0x7FF] =	sst s3;
	s8 =	smul.u32 $0x13C00, s0  }
0x9: {  	s23 =	sadd.s32 $0xF8400, s4;
	_ =	strace $0x8000004A;
	s11 =	smul.u32 $0x4F000, s0  }
0xa: {  	s9 =	ssub.s32 $0x2, s5;
	s10 =	sshll.u32 s5, $0x4;
	s14 =	smul.u32 $0xC0000, s5  }
0xb: {  	s30 =	sshll.u32 s0, $0x6;
	s31 =	smul.u32 $0xC000, s0;
	s24 =	sshrl.u32 s9, $0x1  }
0xc: {  	s25 =	sor.u32 s0, s10;
	s5 =	sor.u32 $0x1C03, s30;
	s7 =	sadd.s32 s8, s7  }
0xd: {  	s26 =	ssub.s32 s9, s24;
	s28 =	sshrl.u32 s11, $0x2;
	s29 =	smul.u32 $0xC00, s25  }
0xe: {  	s14 =	sadd.s32 s14, s23;
	s7 =	sshrl.u32 s7, $0x3;
	s13 =	sadd.s32 s28, s2  }
0xf: {  	s11 =	sadd.s32 s31, s14;
	s10 =	smax.u32 s26, $0x1;
	s14 =	simm.s32 $0xC00  }
0x10: {  	s12 =	sadd.s32 s7, s4;
	s7 =	smul.u32 $0xC000, s25;
	s9 =	sshrl.u32 s29, $0x3  }
0x11: {  	s11 =	sadd.s32 $0x1800, s11;
	s4 =	sadd.s32 $0xA9400, s12;
	s6 =	sadd.s32 s6, s9  }
0x12: {  	s9 =	sadd.s32 $0x1C00, s12;
	s12 =	sshrl.u32 s13, $0x3;
	s7 =	sadd.s32 s23, s7  }
0x13: {  	s13 =	simm.s32 $0x3;
	s6 =	sadd.s32 $0xB000, s6;
	s8 =	sadd.s32 $0x800, s7  }
.LBB2_1:
0x14: {  	[spmem:s12], [sflag:s5] =	dma.local [hbm:s4], $0x2780  }
0x15: {  	_ =	swait.ge [sflag:s13], $0x2780  }
0x16: {  	[sflag:s13] =	ssyncset.done $0x0  }
0x17: {  	[sflag:s13] =	ssyncadd.s32 $0xFFFFD880  }
0x18: {  	[tilespmem:s3], [sflag:$0x3] =	stream.linear.gather [hbm4b:s6+s3], $0xC00, $0x38;
	[tilespmem:$0x1C800] =	vst v63  }
0x19: {  	_ =	swait.ge [sflag:s13], $0xC00  }
0x1a: {  	[sflag:s13] =	ssyncset.done $0x0  }
0x1b: {  	[sflag:s13] =	ssyncadd.s32 $0xFFFFF400  }
0x1c: {  	[bflag:$0x0] =	sbarrier.arrive $0xFFFF  }
0x1d: {  	[tilespmem:s14], [sflag:$0x1] =	stream.linear.gather [hbm4b:s7+s3], $0x4000, $0x38;
	[tilespmem:$0x1C800] =	vst v63  }
0x1e: {  	_ = 	snop  }
0x1f: {  	[tilespmem:s15], [sflag:$0x2] =	stream.linear.gather [hbm4b:s8+s3], $0x4000, $0x38;
	[tilespmem:$0x1C800] =	vst v63  }
0x20: {  	_ =	swait.ge [sflag:s16], $0x4000  }
0x21: {  	[sflag:s16] =	ssyncset.done $0x0  }
0x22: {  	s22 =	simm.s32 $0x0;
	[sflag:s16] =	ssyncadd.s32 $0xFFFFC000  }
0x23: {  	[spmem:s2] =	stream.indirect.scatter.add.f32 [tilespmem:s14], [sflag:$0x3], $0x80, s22, s17, $0xb8;
	[tilespmem:$0x1C800] =	vst v63  }
0x24: {  	_ =	swait.ge [sflag:s13], $0x4000  }
0x25: {  	[sflag:s13] =	ssyncset.done $0x0  }
0x26: {  	s30 =	sadd.s32 $0xFFFFF800, s11;
	[sflag:s13] =	ssyncadd.s32 $0xFFFFC000  }
0x27: {  	[tilespmem:s14], [sflag:$0x1] =	stream.linear.gather [hbm4b:s30+s3], $0x4000, $0x38;
	[tilespmem:$0x1C800] =	vst v63  }
0x28: {  	_ =	swait.ge [sflag:s18], $0x4000  }
0x29: {  	[sflag:s18] =	ssyncset.done $0x0  }
0x2a: {  	s31 =	simm.s32 $0x80;
	[sflag:s18] =	ssyncadd.s32 $0xFFFFC000  }
0x2b: {  	[spmem:s2] =	stream.indirect.scatter.add.f32 [tilespmem:s15], [sflag:$0x3], $0x80, s31, s17, $0xb8;
	[tilespmem:$0x1C800] =	vst v63  }
0x2c: {  	_ =	swait.ge [sflag:s13], $0x4000  }
0x2d: {  	s23 =	sadd.s32 $0x1000, s11;
	[sflag:s13] =	ssyncset.done $0x0  }
0x2e: {  	s24 =	smov.u32 s11;
	s22 =	simm.s32 $0x400;
	[sflag:s13] =	ssyncadd.s32 $0xFFFFC000  }
.LBB2_2:
0x2f: {  	[tilespmem:s15], [sflag:$0x2] =	stream.linear.gather [hbm4b:s24+s3], $0x4000, $0x38;
	[tilespmem:$0x1C800] =	vst v63  }
0x30: {  	s25 =	smov.u32 s22;
	s24 =	smov.u32 s23  }
0x31: {  	p0 =	sne.s32 s22, $0x2800;
	s22 =	sadd.s32 $0x400, s22;
	_ =	swait.ge [sflag:s16], $0x4000  }
0x32: {  	[sflag:s16] =	ssyncset.done $0x0  }
0x33: {  	s25 =	sshra.s32 s25, $0x2;
	[sflag:s16] =	ssyncadd.s32 $0xFFFFC000  }
0x34: {  	[spmem:s2] =	stream.indirect.scatter.add.f32 [tilespmem:s14], [sflag:$0x3], $0x80, s25, s17, $0xb8;
	[tilespmem:$0x1C800] =	vst v63  }
0x35: {  	_ =	swait.ge [sflag:s13], $0x4000  }
0x36: {  	[sflag:s13] =	ssyncset.done $0x0  }
0x37: {  	s26 =	sadd.s32 $0xFFFFF800, s23;
	[sflag:s13] =	ssyncadd.s32 $0xFFFFC000  }
0x38: {  	[tilespmem:s14], [sflag:$0x1] =	stream.linear.gather [hbm4b:s26+s3], $0x4000, $0x38;
	[tilespmem:$0x1C800] =	vst v63  }
0x39: {  	_ =	swait.ge [sflag:s18], $0x4000  }
0x3a: {  	[sflag:s18] =	ssyncset.done $0x0  }
.Ltmp0:
0x3b: {  	s25 =	sadd.s32 $0x80, s25;
	[sflag:s18] =	ssyncadd.s32 $0xFFFFC000;
	(pc) =	sbr.rel @p0 .LBB2_2-.Ltmp0, $4  }
0x3c: {  	[spmem:s2] =	stream.indirect.scatter.add.f32 [tilespmem:s15], [sflag:$0x3], $0x80, s25, s17, $0xb8;
	[tilespmem:$0x1C800] =	vst v63  }
0x3d: {  	_ =	swait.ge [sflag:s13], $0x4000  }
0x3e: {  	[sflag:s13] =	ssyncset.done $0x0  }
0x3f: {  	s23 =	sadd.s32 $0x1000, s23;
	[sflag:s13] =	ssyncadd.s32 $0xFFFFC000  }
0x40: {  	[tilespmem:s15], [sflag:$0x2] =	stream.linear.gather [hbm4b:s24+s3], $0x4000, $0x38;
	[tilespmem:$0x1C800] =	vst v63  }
0x41: {  	_ =	swait.ge [sflag:s16], $0x4000  }
0x42: {  	[sflag:s16] =	ssyncset.done $0x0  }
0x43: {  	[sflag:s16] =	ssyncadd.s32 $0xFFFFC000  }
0x44: {  	[spmem:s2] =	stream.indirect.scatter.add.f32 [tilespmem:s14], [sflag:$0x3], $0x80, s19, s17, $0xb8;
	[tilespmem:$0x1C800] =	vst v63  }
0x45: {  	_ =	swait.ge [sflag:s13], $0x4000  }
0x46: {  	[sflag:s13] =	ssyncset.done $0x0  }
0x47: {  	[sflag:s13] =	ssyncadd.s32 $0xFFFFC000  }
0x48: {  	[tilespmem:s14], [sflag:$0x1] =	stream.linear.gather [hbm4b:s7+s3], $0x4000, $0x38;
	[tilespmem:$0x1C800] =	vst v63  }
0x49: {  	_ =	swait.ge [sflag:s18], $0x4000  }
0x4a: {  	[sflag:s18] =	ssyncset.done $0x0  }
0x4b: {  	[sflag:s18] =	ssyncadd.s32 $0xFFFFC000  }
0x4c: {  	[spmem:s2] =	stream.indirect.scatter.add.f32 [tilespmem:s15], [sflag:$0x3], $0x80, s20, s17, $0xb8;
	[tilespmem:$0x1C800] =	vst v63  }
0x4d: {  	_ =	swait.ge [sflag:s13], $0x4000  }
0x4e: {  	[sflag:s13] =	ssyncset.done $0x0  }
0x4f: {  	[sflag:s13] =	ssyncadd.s32 $0xFFFFC000  }
0x50: {  	[tilespmem:s15], [sflag:$0x2] =	stream.linear.gather [hbm4b:s8+s3], $0x4000, $0x38;
	[tilespmem:$0x1C800] =	vst v63  }
0x51: {  	_ =	swait.ge [sflag:s16], $0x4000  }
0x52: {  	[sflag:s16] =	ssyncset.done $0x0  }
0x53: {  	[sflag:s16] =	ssyncadd.s32 $0xFFFFC000  }
0x54: {  	_ =	swait.ge [sflag:s18], $0x4000  }
0x55: {  	s21 =	sadd.s32 $0x1, s21;
	[sflag:s18] =	ssyncset.done $0x0  }
0x56: {  	p0 =	sne.s32 s21, s10;
	[sflag:s18] =	ssyncadd.s32 $0xFFFFC000  }
.Ltmp1:
0x57: {  	[bflag:$0x0] =	sbarrier.arrive $0xFFFF;
	(pc) =	sbr.rel @p0 .LBB2_1-.Ltmp1, $4  }
0x58: {  	[hbm:s9], [sflag:s5] =	dma.local [spmem:s12], $0x2780  }
0x59: {  	_ =	swait.ge [sflag:s13], $0x2780  }
0x5a: {  	[sflag:s13] =	ssyncset.done $0x0  }
0x5b: {  	[sflag:s13] =	ssyncadd.s32 $0xFFFFD880  }
0x5c: {  	_ =	sfence.sel $0x180000  }
0x5d: {  	[bflag:$0x0] =	sbarrier.arrive $0xFFFF  }
0x5e: {  	p0 =	sne.s32 s0, $0x0;
	_ =	strace $0x9000004A  }
0x5f: {  	s0 =	sadd.s32 @!p0 $0x100000, s1;
	[bflag:$0x2] =	sbarrier.arrive $0xFFFF  }
0x60: {  	[sflag:s0] =	ssyncadd.tile.s32 @!p0 $0x1;
	_ =	shalt  }
.Lfunc_end2:
_tile_overlayer_lowered:
.L_overlay_start_2:
0x61: {  	(tag) =	ssettag $0x2  }
0x62: {  	s0 =	rddreg [dreg:$0x0];
	s2 =	stileid.u32  }
0x63: {  	s1 =	rddreg [dreg:$0x1];
	p0 =	sne.s32 s2, $0x0  }
0x64: {  	s3 =	rddreg [dreg:$0x2];
	[bflag:$0x3] =	sbarrier.arrive $0xFFFF;
	s2 =	simm.s32 @!p0 $0x1C03  }
0x65: {  	[timem:s3], [sflag:s2] =	dma.local @!p0 [hbm:s0], s1  }
0x66: {  	s0 =	simm.s32 @!p0 $0x3  }
0x67: {  	_ =	swait.ge @!p0 [sflag:s0], s1  }
0x68: {  	s1 =	ssub.s32 @!p0 $0x0, s1;
	[sflag:s0] =	ssyncset.done @!p0 $0x0  }
0x69: {  	[sflag:s0] =	ssyncadd.s32 @!p0 s1  }
0x6a: {  	[bflag:$0x3] =	sbarrier.arrive $0xFFFF  }
0x6b: {  	_ =	shalt  }

// kernel: kernel.17.cloned.1.call-start
scs
__scs_entry_jumppad:
0x0: {  	(pc) =	sbr.rel $0x88, $3  }
0x1: {  	(tag) =	ssettag $0x0;
	lr =	simm.s32 $0x1  }
0x2: {  	[smem:$0x3F9B] =	sst lr;
	_ =	strace $0xD0000000  }
0x3: {  	_ = 	snop  }
0x4: {  	_ = 	snop  }
0x5: {  	_ = 	snop  }
0x6: {  	_ = 	snop  }
0x7: {  	_ = 	snop  }
__scs_overlays_trampoline_lowered:
0x8: {  	[smem:$0x3FAA] =	sst s0  }
0x9: {  	[smem:$0x3FAB] =	sst s1  }
0xa: {  	[smem:$0x3FAC] =	sst s2  }
0xb: {  	[smem:$0x3FAD] =	sst s3  }
0xc: {  	[smem:$0x3FAE] =	sst s4  }
0xd: {  	[smem:$0x3FAF] =	sst s5  }
0xe: {  	[smem:$0x3FB0] =	sst s6  }
0xf: {  	[smem:$0x3FB1] =	sst s7  }
0x10: {  	[smem:$0x3FB2] =	sst s8  }
0x11: {  	[smem:$0x3FB3] =	sst s9;
	s0 =	simm.s32 @!p0 $0x0  }
0x12: {  	s1 =	sld [smem:$0x3F99];
	s0 =	simm.s32 @p0 $0x1  }
0x13: {  	[smem:$0x3FB4] =	sst s0;
	s0 =	simm.s32 @!p1 $0x0  }
0x14: {  	s2 =	sld [smem:$0x3F98];
	s0 =	simm.s32 @p1 $0x1  }
0x15: {  	[smem:$0x3FB5] =	sst s0;
	s0 =	simm.s32 @!p2 $0x0  }
0x16: {  	s3 =	sld [smem:$0x3FDB];
	s0 =	simm.s32 @p2 $0x1  }
0x17: {  	s4 =	simm.s32 $0x1BF5;
	[smem:$0x3FB7] =	sst s0  }
0x18: {  	s0 =	sld [smem:$0x3F9A];
	_ =	swait.ge [sflag:s4], $0x0  }
0x19: {  	s7 =	sld [smem:$0x3F9B]  }
0x1a: {  	s8 =	sadd.s32 $0xFFFFE003, lr  }
0x1b: {  	s9 =	sadd.s32 $0xFFFFFEF7, lr;
	s5 =	simm.s32 $0xFFFFFFFF;
	p2 =	slt.u32 s8, $0xFFFFF086  }
0x1c: {  	p1 =	slt.u32 s9, $0xF7A;
	s5 =	simm.s32 @!p2 $0x0  }
0x1d: {  	s5 =	simm.s32 @p1 $0x1;
	p0 =	seq.s32 s7, s2  }
0x1e: {  	s7 =	smul.u32 @!p0 $0xF7A, s2;
	p2 =	seq.s32 @!p0 s5, $0x0  }
0x1f: {  	s9 =	smul.u32 $0xF7A, s1;
	s8 =	simm.s32 @!p0 $0x1BF5;
	p2 =	por !p2, p0  }
0x20: {  	[sflag:s8] =	ssyncset.s32 @!p0 $0xFFFFF086;
	s6 =	sadd.s32 @!p0 s3, s7;
	s7 =	simm.s32 @!p0 $0x108  }
0x21: {  	s3 =	sadd.s32 s3, s9;
	s6 =	sadd.s32 @!p0 $0x88, s6;
	s7 =	simm.s32 @p2 $0x1082  }
0x22: {  	[simem:s7], [sflag:s8] =	dma.local @!p0 [hbm:s6], $0xF7A  }
0x23: {  	s9 =	sor.u32 $0xD0000000, s2;
	s6 =	simm.s32 $0x108;
	_ =	swait.ge @!p0 [sflag:s8], $0x0  }
0x24: {  	s3 =	sadd.s32 $0x88, s3;
	s6 =	simm.s32 @!p1 $0x1082;
	[sflag:s4] =	ssyncset.s32 $0xFFFFF086  }
0x25: {  	[simem:s6], [sflag:s4] =	dma.local [hbm:s3], $0xF7A  }
0x26: {  	[smem:$0x3F9B] =	sst s1;
	(tag) =	ssettag s2;
	_ =	strace s9  }
0x27: {  	s1 =	sld [smem:$0x3FAB]  }
0x28: {  	s2 =	sld [smem:$0x3FAC]  }
0x29: {  	s4 =	sld [smem:$0x3FAE]  }
0x2a: {  	p0 =	seq.s32 s5, $0x0;
	s5 =	sld [smem:$0x3FAF]  }
0x2b: {  	s6 =	sld [smem:$0x3FB0]  }
0x2c: {  	s7 =	sld [smem:$0x3FB1]  }
0x2d: {  	s3 =	simm.s32 $0x108;
	s8 =	sld [smem:$0x3FB2]  }
0x2e: {  	s3 =	simm.s32 @!p0 $0x1082;
	s9 =	sld [smem:$0x3FB3]  }
0x2f: {  	lr =	sadd.s32 s0, s3;
	s0 =	sld [smem:$0x3FAA]  }
0x30: {  	s3 =	sld [smem:$0x3FAD]  }
0x31: {  	[smem:$0x3FB6] =	sst s10  }
0x32: {  	s10 =	sld [smem:$0x3FB4];
	_ =	sdelay $0x3  }
0x33: {  	p0 =	seq.s32 s10, $0x1;
	s10 =	sld [smem:$0x3FB6];
	_ =	sdelay $0x3  }
0x34: {  	[smem:$0x3FB6] =	sst s10  }
0x35: {  	s10 =	sld [smem:$0x3FB5];
	_ =	sdelay $0x3  }
0x36: {  	p1 =	seq.s32 s10, $0x1;
	s10 =	sld [smem:$0x3FB6];
	_ =	sdelay $0x3  }
0x37: {  	[smem:$0x3FB6] =	sst s10  }
0x38: {  	s10 =	sld [smem:$0x3FB7]  }
0x39: {  	_ = 	snop;
	(pc) =	sbr.ind lr, $3  }
0x3a: {  	_ = 	snop  }
0x3b: {  	_ = 	snop  }
0x3c: {  	p2 =	seq.s32 s10, $0x1;
	s10 =	sld [smem:$0x3FB6]  }
0x3d: {  	_ =	shalt  }
0x3e: {  	_ =	shalt  }
0x3f: {  	_ =	shalt  }
0x40: {  	_ =	shalt  }
0x41: {  	_ =	shalt  }
0x42: {  	_ =	shalt  }
0x43: {  	_ =	shalt  }
0x44: {  	_ =	shalt  }
0x45: {  	_ =	shalt  }
0x46: {  	_ =	shalt  }
0x47: {  	_ =	shalt  }
0x48: {  	_ =	shalt  }
0x49: {  	_ =	shalt  }
0x4a: {  	_ =	shalt  }
0x4b: {  	_ =	shalt  }
0x4c: {  	_ =	shalt  }
0x4d: {  	_ =	shalt  }
0x4e: {  	_ =	shalt  }
0x4f: {  	_ =	shalt  }
0x50: {  	_ =	shalt  }
0x51: {  	_ =	shalt  }
0x52: {  	_ =	shalt  }
0x53: {  	_ =	shalt  }
0x54: {  	_ =	shalt  }
0x55: {  	_ =	shalt  }
0x56: {  	_ =	shalt  }
0x57: {  	_ =	shalt  }
0x58: {  	_ =	shalt  }
0x59: {  	_ =	shalt  }
0x5a: {  	_ =	shalt  }
0x5b: {  	_ =	shalt  }
0x5c: {  	_ =	shalt  }
0x5d: {  	_ =	shalt  }
0x5e: {  	_ =	shalt  }
0x5f: {  	_ =	shalt  }
0x60: {  	_ =	shalt  }
0x61: {  	_ =	shalt  }
0x62: {  	_ =	shalt  }
0x63: {  	_ =	shalt  }
0x64: {  	_ =	shalt  }
0x65: {  	_ =	shalt  }
0x66: {  	_ =	shalt  }
0x67: {  	_ =	shalt  }
0x68: {  	_ =	shalt  }
0x69: {  	_ =	shalt  }
0x6a: {  	_ =	shalt  }
0x6b: {  	_ =	shalt  }
0x6c: {  	_ =	shalt  }
0x6d: {  	_ =	shalt  }
0x6e: {  	_ =	shalt  }
0x6f: {  	_ =	shalt  }
0x70: {  	_ =	shalt  }
0x71: {  	_ =	shalt  }
0x72: {  	_ =	shalt  }
0x73: {  	_ =	shalt  }
0x74: {  	_ =	shalt  }
0x75: {  	_ =	shalt  }
0x76: {  	_ =	shalt  }
0x77: {  	_ =	shalt  }
0x78: {  	_ =	shalt  }
0x79: {  	_ =	shalt  }
0x7a: {  	_ =	shalt  }
0x7b: {  	_ =	shalt  }
0x7c: {  	_ =	shalt  }
0x7d: {  	_ =	shalt  }
0x7e: {  	_ =	shalt  }
0x7f: {  	_ =	shalt  }
0x80: {  	_ =	shalt  }
0x81: {  	_ =	shalt  }
0x82: {  	_ =	shalt  }
0x83: {  	_ =	shalt  }
0x84: {  	_ =	shalt  }
0x85: {  	_ =	shalt  }
0x86: {  	_ =	shalt  }
0x87: {  	_ =	shalt  }
.Lfunc_end0:
.L_simem_size_0:
called_computation.2_lowered:
.L_overlay_start_0:
0x88: {  	s2 =	sld [smem:$0x3FD9]  }
0x89: {  	s3 =	sld [smem:$0x3FFE];
	_ =	sdelay $0x1  }
0x8a: {  	s1 =	srdreg.scid  }
0x8b: {  	s0 =	sand.u32 $0x1, s1  }
0x8c: {  	s17 =	sshll.u32 s0, $0xA;
	s2 =	sadd.s32 s3, s2  }
0x8d: {  	s2 =	sadd.s32 s2, s17  }
0x8e: {  	[smem:$0x3FC2] =	sst s2  }
0x8f: {  	_ = 	snop  }
0x90: {  	s2 =	sld [smem:$0x3FD0];
	(tm) =	ssettm $0x1  }
0x91: {  	s18 =	sld [smem:$0x3FFB];
	_ =	sdelay $0x3  }
0x92: {  	_ =	strace s18  }
0x93: {  	s3 =	sld [smem:$0x3FFC];
	_ =	sdelay $0x3  }
0x94: {  	_ =	strace s3  }
0x95: {  	s3 =	sld [smem:$0x3FFD];
	_ =	sdelay $0x3  }
0x96: {  	_ =	strace s3  }
0x97: {  	_ =	strace $0x8FFFFFFF  }
0x98: {  	s19 =	sld [smem:$0x3FDB];
	_ =	sdelay $0x1  }
0x99: {  	s4 =	simm.s32 $_scs_section_size  }
0x9a: {  	s5 =	simm.s32 $_size__tile_overlayer_lowered;
	s6 =	simm.s32 $_tile_overlayer_lowered  }
0x9b: {  	s22 =	simm.s32 $0x1BFF;
	s21 =	sshll.u32 s6, $0x1;
	s3 =	sadd.s32 s4, s19  }
0x9c: {  	s7 =	simm.s32 $0x0;
	s20 =	sshll.u32 s5, $0x1;
	s5 =	sadd.s32 s21, s3  }
0x9d: {  	[timem:s7], [sflag:s22] =	dma.local [hbm:s5], s20  }
0x9e: {  	_ =	swait.ge [sflag:s22], s20  }
0x9f: {  	s4 =	ssub.s32 $0x0, s20;
	[sflag:s22] =	ssyncset.done $0x0  }
0xa0: {  	[sflag:s22] =	ssyncadd.s32 s4;
	_ =	sdelay $0x1  }
0xa1: {  	s23 =	simm.s32 $0x1B8B  }
0xa2: {  	_ =	swait.ge [sflag:s23], $0x1  }
0xa3: {  	[sflag:s23] =	ssyncset.done $0x0  }
0xa4: {  	s25 =	simm.s32 $0x1B8E;
	s24 =	sld [smem:$0x3FFE];
	[sflag:s23] =	ssyncadd.s32 $0xFFFFFFFF  }
0xa5: {  	s26 =	simm.s32 $execute0_lowered;
	[smem:$0x3FD2] =	sst s25  }
0xa6: {  	s5 =	sshll.u32 s26, $0x1;
	_ =	strace $0x8000004C;
	[dreg:$0x1] =	wrdreg $0xFFFFFFFF  }
0xa7: {  	s28 =	simm.s32 $_size_execute0_lowered;
	s3 =	sadd.s32 s3, s5;
	[dreg:$0x0] =	wrdreg $0x0  }
0xa8: {  	s5 =	sshll.u32 s28, $0x1;
	[dreg:$0x2] =	wrdreg s3  }
0xa9: {  	[dreg:$0x3] =	wrdreg s5  }
0xaa: {  	[dreg:$0x4] =	wrdreg $0xC0  }
0xab: {  	_ =	task [dreg:s7], $0x5FFFF  }
0xac: {  	[dreg:$0x1] =	wrdreg $0xFFFFFFFF  }
0xad: {  	[dreg:$0x0] =	wrdreg $0x60  }
0xae: {  	[dreg:$0x2] =	wrdreg s24  }
0xaf: {  	[dreg:$0x3] =	wrdreg s2  }
0xb0: {  	[dreg:$0x4] =	wrdreg $0x8C000  }
0xb1: {  	[dreg:$0x5] =	wrdreg $0x9  }
0xb2: {  	_ =	task.clear_ibuf [dreg:s7], $0x6FFFF;
	_ =	strace $0x9000004C  }
0xb3: {  	s29 =	simm.s32 $0x9;
	_ =	strace $0x8000004E  }
0xb4: {  	_ =	swait.ge [sflag:s29], $0x1  }
0xb5: {  	[sflag:s29] =	ssyncadd.s32 $0xFFFFFFFF  }
0xb6: {  	_ =	strace $0x9000004E  }
0xb7: {  	_ =	sfence  }
0xb8: {  	s30 =	sld [smem:$0x0];
	_ =	sdelay $0x2  }
0xb9: {  	s31 =	sshll.u32 s1, $0xD;
	s1 =	sshrl.u32 s1, $0x2  }
0xba: {  	s3 =	sand.u32 $0x4000, s31;
	s1 =	sadd.s32 s1, s30  }
0xbb: {  	s0 =	sor.u32 s3, s0;
	s1 =	sshll.u32 s1, $0x11  }
0xbc: {  	s0 =	sor.u32 s1, s0  }
0xbd: {  	s0 =	sadd.s32 $0x8F2B, s0  }
0xbe: {  	[sflag:s0] =	ssyncadd.remote.s32 $0x1  }
0xbf: {  	_ =	sfence.sel $0xFFFF  }
0xc0: {  	[dreg:$0x0] =	wrdreg $0xFFFFFFFF;
	(pc) =	sbr.abs _section_cstart, $3  }
0xc1: {  	[dreg:$0x1] =	wrdreg $0xFFFFFFFF  }
0xc2: {  	_ =	task.clear_ibuf [dreg:s7], $0x2FFFF;
	_ =	strace $0x9FFFFFFF  }
0xc3: {  	(tm) =	ssettm $0x7FFFFFFF  }
tec
execute0_lowered:
.L_overlay_start_1:
0x0: {  	(tag) =	ssettag $0x1  }
0x1: {  	s4 =	rddreg [dreg:$0x0]  }
0x2: {  	s6 =	rddreg [dreg:$0x1]  }
0x3: {  	s2 =	rddreg [dreg:$0x2]  }
0x4: {  	s0 =	srdreg.scid;
	s1 =	rddreg [dreg:$0x3];
	s3 =	simm.s32 $0x0  }
0x5: {  	s15 =	simm.s32 $0x4C00;
	s16 =	simm.s32 $0x1;
	s17 =	simm.s32 $0x80  }
0x6: {  	s18 =	simm.s32 $0x2;
	s19 =	simm.s32 $0xB00;
	s5 =	sand.u32 $0x1, s0  }
0x7: {  	s20 =	simm.s32 $0xB80;
	s0 =	stileid.u32;
	s7 =	smul.u32 $0x13C000, s5  }
0x8: {  	[smem:$0x7FF] =	sst s3;
	s23 =	sadd.s32 $0x278400, s4;
	s8 =	smul.u32 $0x13C00, s0  }
0x9: {  	s21 =	simm.s32 $0x0;
	_ =	strace $0x8000004D;
	s11 =	smul.u32 $0x4F000, s0  }
0xa: {  	s9 =	ssub.s32 $0x2, s5;
	s10 =	sshll.u32 s5, $0x4;
	s14 =	smul.u32 $0xC0000, s5  }
0xb: {  	s30 =	sshll.u32 s0, $0x6;
	s31 =	smul.u32 $0xC000, s0;
	s24 =	sshrl.u32 s9, $0x1  }
0xc: {  	s25 =	sor.u32 s0, s10;
	s5 =	sor.u32 $0x1C03, s30;
	s7 =	sadd.s32 s8, s7  }
0xd: {  	s26 =	ssub.s32 s9, s24;
	s28 =	sshrl.u32 s11, $0x2;
	s29 =	smul.u32 $0xC00, s25  }
0xe: {  	s14 =	sadd.s32 s14, s23;
	s7 =	sshrl.u32 s7, $0x3;
	s13 =	sadd.s32 s28, s2  }
0xf: {  	s11 =	sadd.s32 s31, s14;
	s10 =	smax.u32 s26, $0x1;
	s14 =	simm.s32 $0xC00  }
0x10: {  	s12 =	sadd.s32 s7, s4;
	s7 =	smul.u32 $0xC000, s25;
	s9 =	sshrl.u32 s29, $0x3  }
0x11: {  	s11 =	sadd.s32 $0x1800, s11;
	s4 =	sadd.s32 $0x1C00, s12;
	s6 =	sadd.s32 s6, s9  }
0x12: {  	s9 =	sadd.s32 $0x50C00, s12;
	s12 =	sshrl.u32 s13, $0x3;
	s7 =	sadd.s32 s23, s7  }
0x13: {  	s13 =	simm.s32 $0x3;
	s6 =	sadd.s32 $0xE000, s6;
	s8 =	sadd.s32 $0x800, s7  }
.LBB2_1:
0x14: {  	[spmem:s12], [sflag:s5] =	dma.local [hbm:s4], $0x2780  }
0x15: {  	_ =	swait.ge [sflag:s13], $0x2780  }
0x16: {  	[sflag:s13] =	ssyncset.done $0x0  }
0x17: {  	[sflag:s13] =	ssyncadd.s32 $0xFFFFD880  }
0x18: {  	[tilespmem:s3], [sflag:$0x3] =	stream.linear.gather [hbm4b:s6+s3], $0xC00, $0x38;
	[tilespmem:$0x1C800] =	vst v63  }
0x19: {  	_ =	swait.ge [sflag:s13], $0xC00  }
0x1a: {  	[sflag:s13] =	ssyncset.done $0x0  }
0x1b: {  	[sflag:s13] =	ssyncadd.s32 $0xFFFFF400  }
0x1c: {  	[bflag:$0x0] =	sbarrier.arrive $0xFFFF  }
0x1d: {  	[tilespmem:s14], [sflag:$0x1] =	stream.linear.gather [hbm4b:s7+s3], $0x4000, $0x38;
	[tilespmem:$0x1C800] =	vst v63  }
0x1e: {  	_ = 	snop  }
0x1f: {  	[tilespmem:s15], [sflag:$0x2] =	stream.linear.gather [hbm4b:s8+s3], $0x4000, $0x38;
	[tilespmem:$0x1C800] =	vst v63  }
0x20: {  	_ =	swait.ge [sflag:s16], $0x4000  }
0x21: {  	[sflag:s16] =	ssyncset.done $0x0  }
0x22: {  	s22 =	simm.s32 $0x0;
	[sflag:s16] =	ssyncadd.s32 $0xFFFFC000  }
0x23: {  	[spmem:s2] =	stream.indirect.scatter.add.f32 [tilespmem:s14], [sflag:$0x3], $0x80, s22, s17, $0xb8;
	[tilespmem:$0x1C800] =	vst v63  }
0x24: {  	_ =	swait.ge [sflag:s13], $0x4000  }
0x25: {  	[sflag:s13] =	ssyncset.done $0x0  }
0x26: {  	s30 =	sadd.s32 $0xFFFFF800, s11;
	[sflag:s13] =	ssyncadd.s32 $0xFFFFC000  }
0x27: {  	[tilespmem:s14], [sflag:$0x1] =	stream.linear.gather [hbm4b:s30+s3], $0x4000, $0x38;
	[tilespmem:$0x1C800] =	vst v63  }
0x28: {  	_ =	swait.ge [sflag:s18], $0x4000  }
0x29: {  	[sflag:s18] =	ssyncset.done $0x0  }
0x2a: {  	s31 =	simm.s32 $0x80;
	[sflag:s18] =	ssyncadd.s32 $0xFFFFC000  }
0x2b: {  	[spmem:s2] =	stream.indirect.scatter.add.f32 [tilespmem:s15], [sflag:$0x3], $0x80, s31, s17, $0xb8;
	[tilespmem:$0x1C800] =	vst v63  }
0x2c: {  	_ =	swait.ge [sflag:s13], $0x4000  }
0x2d: {  	s23 =	sadd.s32 $0x1000, s11;
	[sflag:s13] =	ssyncset.done $0x0  }
0x2e: {  	s24 =	smov.u32 s11;
	s22 =	simm.s32 $0x400;
	[sflag:s13] =	ssyncadd.s32 $0xFFFFC000  }
.LBB2_2:
0x2f: {  	[tilespmem:s15], [sflag:$0x2] =	stream.linear.gather [hbm4b:s24+s3], $0x4000, $0x38;
	[tilespmem:$0x1C800] =	vst v63  }
0x30: {  	s25 =	smov.u32 s22;
	s24 =	smov.u32 s23  }
0x31: {  	p0 =	sne.s32 s22, $0x2800;
	s22 =	sadd.s32 $0x400, s22;
	_ =	swait.ge [sflag:s16], $0x4000  }
0x32: {  	[sflag:s16] =	ssyncset.done $0x0  }
0x33: {  	s25 =	sshra.s32 s25, $0x2;
	[sflag:s16] =	ssyncadd.s32 $0xFFFFC000  }
0x34: {  	[spmem:s2] =	stream.indirect.scatter.add.f32 [tilespmem:s14], [sflag:$0x3], $0x80, s25, s17, $0xb8;
	[tilespmem:$0x1C800] =	vst v63  }
0x35: {  	_ =	swait.ge [sflag:s13], $0x4000  }
0x36: {  	[sflag:s13] =	ssyncset.done $0x0  }
0x37: {  	s26 =	sadd.s32 $0xFFFFF800, s23;
	[sflag:s13] =	ssyncadd.s32 $0xFFFFC000  }
0x38: {  	[tilespmem:s14], [sflag:$0x1] =	stream.linear.gather [hbm4b:s26+s3], $0x4000, $0x38;
	[tilespmem:$0x1C800] =	vst v63  }
0x39: {  	_ =	swait.ge [sflag:s18], $0x4000  }
0x3a: {  	[sflag:s18] =	ssyncset.done $0x0  }
.Ltmp0:
0x3b: {  	s25 =	sadd.s32 $0x80, s25;
	[sflag:s18] =	ssyncadd.s32 $0xFFFFC000;
	(pc) =	sbr.rel @p0 .LBB2_2-.Ltmp0, $4  }
0x3c: {  	[spmem:s2] =	stream.indirect.scatter.add.f32 [tilespmem:s15], [sflag:$0x3], $0x80, s25, s17, $0xb8;
	[tilespmem:$0x1C800] =	vst v63  }
0x3d: {  	_ =	swait.ge [sflag:s13], $0x4000  }
0x3e: {  	[sflag:s13] =	ssyncset.done $0x0  }
0x3f: {  	s23 =	sadd.s32 $0x1000, s23;
	[sflag:s13] =	ssyncadd.s32 $0xFFFFC000  }
0x40: {  	[tilespmem:s15], [sflag:$0x2] =	stream.linear.gather [hbm4b:s24+s3], $0x4000, $0x38;
	[tilespmem:$0x1C800] =	vst v63  }
0x41: {  	_ =	swait.ge [sflag:s16], $0x4000  }
0x42: {  	[sflag:s16] =	ssyncset.done $0x0  }
0x43: {  	[sflag:s16] =	ssyncadd.s32 $0xFFFFC000  }
0x44: {  	[spmem:s2] =	stream.indirect.scatter.add.f32 [tilespmem:s14], [sflag:$0x3], $0x80, s19, s17, $0xb8;
	[tilespmem:$0x1C800] =	vst v63  }
0x45: {  	_ =	swait.ge [sflag:s13], $0x4000  }
0x46: {  	[sflag:s13] =	ssyncset.done $0x0  }
0x47: {  	[sflag:s13] =	ssyncadd.s32 $0xFFFFC000  }
0x48: {  	[tilespmem:s14], [sflag:$0x1] =	stream.linear.gather [hbm4b:s7+s3], $0x4000, $0x38;
	[tilespmem:$0x1C800] =	vst v63  }
0x49: {  	_ =	swait.ge [sflag:s18], $0x4000  }
0x4a: {  	[sflag:s18] =	ssyncset.done $0x0  }
0x4b: {  	[sflag:s18] =	ssyncadd.s32 $0xFFFFC000  }
0x4c: {  	[spmem:s2] =	stream.indirect.scatter.add.f32 [tilespmem:s15], [sflag:$0x3], $0x80, s20, s17, $0xb8;
	[tilespmem:$0x1C800] =	vst v63  }
0x4d: {  	_ =	swait.ge [sflag:s13], $0x4000  }
0x4e: {  	[sflag:s13] =	ssyncset.done $0x0  }
0x4f: {  	[sflag:s13] =	ssyncadd.s32 $0xFFFFC000  }
0x50: {  	[tilespmem:s15], [sflag:$0x2] =	stream.linear.gather [hbm4b:s8+s3], $0x4000, $0x38;
	[tilespmem:$0x1C800] =	vst v63  }
0x51: {  	_ =	swait.ge [sflag:s16], $0x4000  }
0x52: {  	[sflag:s16] =	ssyncset.done $0x0  }
0x53: {  	[sflag:s16] =	ssyncadd.s32 $0xFFFFC000  }
0x54: {  	_ =	swait.ge [sflag:s18], $0x4000  }
0x55: {  	s21 =	sadd.s32 $0x1, s21;
	[sflag:s18] =	ssyncset.done $0x0  }
0x56: {  	p0 =	sne.s32 s21, s10;
	[sflag:s18] =	ssyncadd.s32 $0xFFFFC000  }
.Ltmp1:
0x57: {  	[bflag:$0x0] =	sbarrier.arrive $0xFFFF;
	(pc) =	sbr.rel @p0 .LBB2_1-.Ltmp1, $4  }
0x58: {  	[hbm:s9], [sflag:s5] =	dma.local [spmem:s12], $0x2780  }
0x59: {  	_ =	swait.ge [sflag:s13], $0x2780  }
0x5a: {  	[sflag:s13] =	ssyncset.done $0x0  }
0x5b: {  	[sflag:s13] =	ssyncadd.s32 $0xFFFFD880  }
0x5c: {  	_ =	sfence.sel $0x180000  }
0x5d: {  	[bflag:$0x0] =	sbarrier.arrive $0xFFFF  }
0x5e: {  	p0 =	sne.s32 s0, $0x0;
	_ =	strace $0x9000004D  }
0x5f: {  	s0 =	sadd.s32 @!p0 $0x100000, s1;
	[bflag:$0x2] =	sbarrier.arrive $0xFFFF  }
0x60: {  	[sflag:s0] =	ssyncadd.tile.s32 @!p0 $0x1;
	_ =	shalt  }
.Lfunc_end2:
_tile_overlayer_lowered:
.L_overlay_start_2:
0x61: {  	(tag) =	ssettag $0x2  }
0x62: {  	s0 =	rddreg [dreg:$0x0];
	s2 =	stileid.u32  }
0x63: {  	s1 =	rddreg [dreg:$0x1];
	p0 =	sne.s32 s2, $0x0  }
0x64: {  	s3 =	rddreg [dreg:$0x2];
	[bflag:$0x3] =	sbarrier.arrive $0xFFFF;
	s2 =	simm.s32 @!p0 $0x1C03  }
0x65: {  	[timem:s3], [sflag:s2] =	dma.local @!p0 [hbm:s0], s1  }
0x66: {  	s0 =	simm.s32 @!p0 $0x3  }
0x67: {  	_ =	swait.ge @!p0 [sflag:s0], s1  }
0x68: {  	s1 =	ssub.s32 @!p0 $0x0, s1;
	[sflag:s0] =	ssyncset.done @!p0 $0x0  }
0x69: {  	[sflag:s0] =	ssyncadd.s32 @!p0 s1  }
0x6a: {  	[bflag:$0x3] =	sbarrier.arrive $0xFFFF  }
0x6b: {  	_ =	shalt  }

// kernel: kernel.20.cloned.1.call-start
scs
__scs_entry_jumppad:
0x0: {  	(pc) =	sbr.rel $0x88, $3  }
0x1: {  	(tag) =	ssettag $0x0;
	lr =	simm.s32 $0x1  }
0x2: {  	[smem:$0x3F9B] =	sst lr;
	_ =	strace $0xD0000000  }
0x3: {  	_ = 	snop  }
0x4: {  	_ = 	snop  }
0x5: {  	_ = 	snop  }
0x6: {  	_ = 	snop  }
0x7: {  	_ = 	snop  }
__scs_overlays_trampoline_lowered:
0x8: {  	[smem:$0x3FAA] =	sst s0  }
0x9: {  	[smem:$0x3FAB] =	sst s1  }
0xa: {  	[smem:$0x3FAC] =	sst s2  }
0xb: {  	[smem:$0x3FAD] =	sst s3  }
0xc: {  	[smem:$0x3FAE] =	sst s4  }
0xd: {  	[smem:$0x3FAF] =	sst s5  }
0xe: {  	[smem:$0x3FB0] =	sst s6  }
0xf: {  	[smem:$0x3FB1] =	sst s7  }
0x10: {  	[smem:$0x3FB2] =	sst s8  }
0x11: {  	[smem:$0x3FB3] =	sst s9;
	s0 =	simm.s32 @!p0 $0x0  }
0x12: {  	s1 =	sld [smem:$0x3F99];
	s0 =	simm.s32 @p0 $0x1  }
0x13: {  	[smem:$0x3FB4] =	sst s0;
	s0 =	simm.s32 @!p1 $0x0  }
0x14: {  	s2 =	sld [smem:$0x3F98];
	s0 =	simm.s32 @p1 $0x1  }
0x15: {  	[smem:$0x3FB5] =	sst s0;
	s0 =	simm.s32 @!p2 $0x0  }
0x16: {  	s3 =	sld [smem:$0x3FDB];
	s0 =	simm.s32 @p2 $0x1  }
0x17: {  	s4 =	simm.s32 $0x1BF5;
	[smem:$0x3FB7] =	sst s0  }
0x18: {  	s0 =	sld [smem:$0x3F9A];
	_ =	swait.ge [sflag:s4], $0x0  }
0x19: {  	s7 =	sld [smem:$0x3F9B]  }
0x1a: {  	s8 =	sadd.s32 $0xFFFFE003, lr  }
0x1b: {  	s9 =	sadd.s32 $0xFFFFFEF7, lr;
	s5 =	simm.s32 $0xFFFFFFFF;
	p2 =	slt.u32 s8, $0xFFFFF086  }
0x1c: {  	p1 =	slt.u32 s9, $0xF7A;
	s5 =	simm.s32 @!p2 $0x0  }
0x1d: {  	s5 =	simm.s32 @p1 $0x1;
	p0 =	seq.s32 s7, s2  }
0x1e: {  	s7 =	smul.u32 @!p0 $0xF7A, s2;
	p2 =	seq.s32 @!p0 s5, $0x0  }
0x1f: {  	s9 =	smul.u32 $0xF7A, s1;
	s8 =	simm.s32 @!p0 $0x1BF5;
	p2 =	por !p2, p0  }
0x20: {  	[sflag:s8] =	ssyncset.s32 @!p0 $0xFFFFF086;
	s6 =	sadd.s32 @!p0 s3, s7;
	s7 =	simm.s32 @!p0 $0x108  }
0x21: {  	s3 =	sadd.s32 s3, s9;
	s6 =	sadd.s32 @!p0 $0x88, s6;
	s7 =	simm.s32 @p2 $0x1082  }
0x22: {  	[simem:s7], [sflag:s8] =	dma.local @!p0 [hbm:s6], $0xF7A  }
0x23: {  	s9 =	sor.u32 $0xD0000000, s2;
	s6 =	simm.s32 $0x108;
	_ =	swait.ge @!p0 [sflag:s8], $0x0  }
0x24: {  	s3 =	sadd.s32 $0x88, s3;
	s6 =	simm.s32 @!p1 $0x1082;
	[sflag:s4] =	ssyncset.s32 $0xFFFFF086  }
0x25: {  	[simem:s6], [sflag:s4] =	dma.local [hbm:s3], $0xF7A  }
0x26: {  	[smem:$0x3F9B] =	sst s1;
	(tag) =	ssettag s2;
	_ =	strace s9  }
0x27: {  	s1 =	sld [smem:$0x3FAB]  }
0x28: {  	s2 =	sld [smem:$0x3FAC]  }
0x29: {  	s4 =	sld [smem:$0x3FAE]  }
0x2a: {  	p0 =	seq.s32 s5, $0x0;
	s5 =	sld [smem:$0x3FAF]  }
0x2b: {  	s6 =	sld [smem:$0x3FB0]  }
0x2c: {  	s7 =	sld [smem:$0x3FB1]  }
0x2d: {  	s3 =	simm.s32 $0x108;
	s8 =	sld [smem:$0x3FB2]  }
0x2e: {  	s3 =	simm.s32 @!p0 $0x1082;
	s9 =	sld [smem:$0x3FB3]  }
0x2f: {  	lr =	sadd.s32 s0, s3;
	s0 =	sld [smem:$0x3FAA]  }
0x30: {  	s3 =	sld [smem:$0x3FAD]  }
0x31: {  	[smem:$0x3FB6] =	sst s10  }
0x32: {  	s10 =	sld [smem:$0x3FB4];
	_ =	sdelay $0x3  }
0x33: {  	p0 =	seq.s32 s10, $0x1;
	s10 =	sld [smem:$0x3FB6];
	_ =	sdelay $0x3  }
0x34: {  	[smem:$0x3FB6] =	sst s10  }
0x35: {  	s10 =	sld [smem:$0x3FB5];
	_ =	sdelay $0x3  }
0x36: {  	p1 =	seq.s32 s10, $0x1;
	s10 =	sld [smem:$0x3FB6];
	_ =	sdelay $0x3  }
0x37: {  	[smem:$0x3FB6] =	sst s10  }
0x38: {  	s10 =	sld [smem:$0x3FB7]  }
0x39: {  	_ = 	snop;
	(pc) =	sbr.ind lr, $3  }
0x3a: {  	_ = 	snop  }
0x3b: {  	_ = 	snop  }
0x3c: {  	p2 =	seq.s32 s10, $0x1;
	s10 =	sld [smem:$0x3FB6]  }
0x3d: {  	_ =	shalt  }
0x3e: {  	_ =	shalt  }
0x3f: {  	_ =	shalt  }
0x40: {  	_ =	shalt  }
0x41: {  	_ =	shalt  }
0x42: {  	_ =	shalt  }
0x43: {  	_ =	shalt  }
0x44: {  	_ =	shalt  }
0x45: {  	_ =	shalt  }
0x46: {  	_ =	shalt  }
0x47: {  	_ =	shalt  }
0x48: {  	_ =	shalt  }
0x49: {  	_ =	shalt  }
0x4a: {  	_ =	shalt  }
0x4b: {  	_ =	shalt  }
0x4c: {  	_ =	shalt  }
0x4d: {  	_ =	shalt  }
0x4e: {  	_ =	shalt  }
0x4f: {  	_ =	shalt  }
0x50: {  	_ =	shalt  }
0x51: {  	_ =	shalt  }
0x52: {  	_ =	shalt  }
0x53: {  	_ =	shalt  }
0x54: {  	_ =	shalt  }
0x55: {  	_ =	shalt  }
0x56: {  	_ =	shalt  }
0x57: {  	_ =	shalt  }
0x58: {  	_ =	shalt  }
0x59: {  	_ =	shalt  }
0x5a: {  	_ =	shalt  }
0x5b: {  	_ =	shalt  }
0x5c: {  	_ =	shalt  }
0x5d: {  	_ =	shalt  }
0x5e: {  	_ =	shalt  }
0x5f: {  	_ =	shalt  }
0x60: {  	_ =	shalt  }
0x61: {  	_ =	shalt  }
0x62: {  	_ =	shalt  }
0x63: {  	_ =	shalt  }
0x64: {  	_ =	shalt  }
0x65: {  	_ =	shalt  }
0x66: {  	_ =	shalt  }
0x67: {  	_ =	shalt  }
0x68: {  	_ =	shalt  }
0x69: {  	_ =	shalt  }
0x6a: {  	_ =	shalt  }
0x6b: {  	_ =	shalt  }
0x6c: {  	_ =	shalt  }
0x6d: {  	_ =	shalt  }
0x6e: {  	_ =	shalt  }
0x6f: {  	_ =	shalt  }
0x70: {  	_ =	shalt  }
0x71: {  	_ =	shalt  }
0x72: {  	_ =	shalt  }
0x73: {  	_ =	shalt  }
0x74: {  	_ =	shalt  }
0x75: {  	_ =	shalt  }
0x76: {  	_ =	shalt  }
0x77: {  	_ =	shalt  }
0x78: {  	_ =	shalt  }
0x79: {  	_ =	shalt  }
0x7a: {  	_ =	shalt  }
0x7b: {  	_ =	shalt  }
0x7c: {  	_ =	shalt  }
0x7d: {  	_ =	shalt  }
0x7e: {  	_ =	shalt  }
0x7f: {  	_ =	shalt  }
0x80: {  	_ =	shalt  }
0x81: {  	_ =	shalt  }
0x82: {  	_ =	shalt  }
0x83: {  	_ =	shalt  }
0x84: {  	_ =	shalt  }
0x85: {  	_ =	shalt  }
0x86: {  	_ =	shalt  }
0x87: {  	_ =	shalt  }
.Lfunc_end0:
.L_simem_size_0:
called_computation.3_lowered:
.L_overlay_start_0:
0x88: {  	s2 =	sld [smem:$0x3FD9]  }
0x89: {  	s3 =	sld [smem:$0x3FFE];
	_ =	sdelay $0x1  }
0x8a: {  	s1 =	srdreg.scid  }
0x8b: {  	s0 =	sand.u32 $0x1, s1  }
0x8c: {  	s17 =	sshll.u32 s0, $0xA;
	s2 =	sadd.s32 s3, s2  }
0x8d: {  	s2 =	sadd.s32 s2, s17  }
0x8e: {  	[smem:$0x3FC2] =	sst s2  }
0x8f: {  	_ = 	snop  }
0x90: {  	s2 =	sld [smem:$0x3FD0];
	(tm) =	ssettm $0x1  }
0x91: {  	s18 =	sld [smem:$0x3FFB];
	_ =	sdelay $0x3  }
0x92: {  	_ =	strace s18  }
0x93: {  	s3 =	sld [smem:$0x3FFC];
	_ =	sdelay $0x3  }
0x94: {  	_ =	strace s3  }
0x95: {  	s3 =	sld [smem:$0x3FFD];
	_ =	sdelay $0x3  }
0x96: {  	_ =	strace s3  }
0x97: {  	_ =	strace $0x8FFFFFFF  }
0x98: {  	s19 =	sld [smem:$0x3FDB];
	_ =	sdelay $0x1  }
0x99: {  	s4 =	simm.s32 $_scs_section_size  }
0x9a: {  	s5 =	simm.s32 $_size__tile_overlayer_lowered;
	s6 =	simm.s32 $_tile_overlayer_lowered  }
0x9b: {  	s22 =	simm.s32 $0x1BFF;
	s21 =	sshll.u32 s6, $0x1;
	s3 =	sadd.s32 s4, s19  }
0x9c: {  	s7 =	simm.s32 $0x0;
	s20 =	sshll.u32 s5, $0x1;
	s5 =	sadd.s32 s21, s3  }
0x9d: {  	[timem:s7], [sflag:s22] =	dma.local [hbm:s5], s20  }
0x9e: {  	_ =	swait.ge [sflag:s22], s20  }
0x9f: {  	s4 =	ssub.s32 $0x0, s20;
	[sflag:s22] =	ssyncset.done $0x0  }
0xa0: {  	[sflag:s22] =	ssyncadd.s32 s4;
	_ =	sdelay $0x1  }
0xa1: {  	s23 =	simm.s32 $0x1B8B  }
0xa2: {  	_ =	swait.ge [sflag:s23], $0x1  }
0xa3: {  	[sflag:s23] =	ssyncset.done $0x0  }
0xa4: {  	s25 =	simm.s32 $0x1B8E;
	s24 =	sld [smem:$0x3FFE];
	[sflag:s23] =	ssyncadd.s32 $0xFFFFFFFF  }
0xa5: {  	s26 =	simm.s32 $execute0_lowered;
	[smem:$0x3FD2] =	sst s25  }
0xa6: {  	s5 =	sshll.u32 s26, $0x1;
	_ =	strace $0x8000004F;
	[dreg:$0x1] =	wrdreg $0xFFFFFFFF  }
0xa7: {  	s28 =	simm.s32 $_size_execute0_lowered;
	s3 =	sadd.s32 s3, s5;
	[dreg:$0x0] =	wrdreg $0x0  }
0xa8: {  	s5 =	sshll.u32 s28, $0x1;
	[dreg:$0x2] =	wrdreg s3  }
0xa9: {  	[dreg:$0x3] =	wrdreg s5  }
0xaa: {  	[dreg:$0x4] =	wrdreg $0xC0  }
0xab: {  	_ =	task [dreg:s7], $0x5FFFF  }
0xac: {  	[dreg:$0x1] =	wrdreg $0xFFFFFFFF  }
0xad: {  	[dreg:$0x0] =	wrdreg $0x60  }
0xae: {  	[dreg:$0x2] =	wrdreg s24  }
0xaf: {  	[dreg:$0x3] =	wrdreg s2  }
0xb0: {  	[dreg:$0x4] =	wrdreg $0x8C000  }
0xb1: {  	[dreg:$0x5] =	wrdreg $0x9  }
0xb2: {  	_ =	task.clear_ibuf [dreg:s7], $0x6FFFF;
	_ =	strace $0x9000004F  }
0xb3: {  	s29 =	simm.s32 $0x9;
	_ =	strace $0x80000051  }
0xb4: {  	_ =	swait.ge [sflag:s29], $0x1  }
0xb5: {  	[sflag:s29] =	ssyncadd.s32 $0xFFFFFFFF  }
0xb6: {  	_ =	strace $0x90000051  }
0xb7: {  	_ =	sfence  }
0xb8: {  	s30 =	sld [smem:$0x0];
	_ =	sdelay $0x2  }
0xb9: {  	s31 =	sshll.u32 s1, $0xD;
	s1 =	sshrl.u32 s1, $0x2  }
0xba: {  	s3 =	sand.u32 $0x4000, s31;
	s1 =	sadd.s32 s1, s30  }
0xbb: {  	s0 =	sor.u32 s3, s0;
	s1 =	sshll.u32 s1, $0x11  }
0xbc: {  	s0 =	sor.u32 s1, s0  }
0xbd: {  	s0 =	sadd.s32 $0x8F2B, s0  }
0xbe: {  	[sflag:s0] =	ssyncadd.remote.s32 $0x1  }
0xbf: {  	_ =	sfence.sel $0xFFFF  }
0xc0: {  	[dreg:$0x0] =	wrdreg $0xFFFFFFFF;
	(pc) =	sbr.abs _section_cstart, $3  }
0xc1: {  	[dreg:$0x1] =	wrdreg $0xFFFFFFFF  }
0xc2: {  	_ =	task.clear_ibuf [dreg:s7], $0x2FFFF;
	_ =	strace $0x9FFFFFFF  }
0xc3: {  	(tm) =	ssettm $0x7FFFFFFF  }
tec
execute0_lowered:
.L_overlay_start_1:
0x0: {  	(tag) =	ssettag $0x1  }
0x1: {  	s4 =	rddreg [dreg:$0x0]  }
0x2: {  	s6 =	rddreg [dreg:$0x1]  }
0x3: {  	s2 =	rddreg [dreg:$0x2]  }
0x4: {  	s0 =	srdreg.scid;
	s1 =	rddreg [dreg:$0x3];
	s3 =	simm.s32 $0x0  }
0x5: {  	s15 =	simm.s32 $0x4C00;
	s16 =	simm.s32 $0x1;
	s17 =	simm.s32 $0x80  }
0x6: {  	s18 =	simm.s32 $0x2;
	s19 =	simm.s32 $0xB00;
	s5 =	sand.u32 $0x1, s0  }
0x7: {  	s20 =	simm.s32 $0xB80;
	s0 =	stileid.u32;
	s7 =	smul.u32 $0x13C000, s5  }
0x8: {  	s21 =	simm.s32 $0x0;
	[smem:$0x7FF] =	sst s3;
	s8 =	smul.u32 $0x13C00, s0  }
0x9: {  	s23 =	sadd.s32 $0x9FC00, s4;
	_ =	strace $0x80000050;
	s11 =	smul.u32 $0x4F000, s0  }
0xa: {  	s9 =	ssub.s32 $0x2, s5;
	s10 =	sshll.u32 s5, $0x4;
	s14 =	smul.u32 $0xC0000, s5  }
0xb: {  	s30 =	sshll.u32 s0, $0x6;
	s31 =	smul.u32 $0xC000, s0;
	s24 =	sshrl.u32 s9, $0x1  }
0xc: {  	s25 =	sor.u32 s0, s10;
	s5 =	sor.u32 $0x1C03, s30;
	s7 =	sadd.s32 s8, s7  }
0xd: {  	s26 =	ssub.s32 s9, s24;
	s28 =	sshrl.u32 s11, $0x2;
	s29 =	smul.u32 $0xC00, s25  }
0xe: {  	s14 =	sadd.s32 s14, s23;
	s7 =	sshrl.u32 s7, $0x3;
	s13 =	sadd.s32 s28, s2  }
0xf: {  	s11 =	sadd.s32 s31, s14;
	s10 =	smax.u32 s26, $0x1;
	s14 =	simm.s32 $0xC00  }
0x10: {  	s12 =	sadd.s32 s7, s4;
	s7 =	smul.u32 $0xC000, s25;
	s9 =	sshrl.u32 s29, $0x3  }
0x11: {  	s11 =	sadd.s32 $0x1800, s11;
	s4 =	sadd.s32 $0x50C00, s12;
	s6 =	sadd.s32 s6, s9  }
0x12: {  	s9 =	sadd.s32 $0x1C00, s12;
	s12 =	sshrl.u32 s13, $0x3;
	s7 =	sadd.s32 s23, s7  }
0x13: {  	s13 =	simm.s32 $0x3;
	s6 =	sadd.s32 $0x11000, s6;
	s8 =	sadd.s32 $0x800, s7  }
.LBB2_1:
0x14: {  	[spmem:s12], [sflag:s5] =	dma.local [hbm:s4], $0x2780  }
0x15: {  	_ =	swait.ge [sflag:s13], $0x2780  }
0x16: {  	[sflag:s13] =	ssyncset.done $0x0  }
0x17: {  	[sflag:s13] =	ssyncadd.s32 $0xFFFFD880  }
0x18: {  	[tilespmem:s3], [sflag:$0x3] =	stream.linear.gather [hbm4b:s6+s3], $0xC00, $0x38;
	[tilespmem:$0x1C800] =	vst v63  }
0x19: {  	_ =	swait.ge [sflag:s13], $0xC00  }
0x1a: {  	[sflag:s13] =	ssyncset.done $0x0  }
0x1b: {  	[sflag:s13] =	ssyncadd.s32 $0xFFFFF400  }
0x1c: {  	[bflag:$0x0] =	sbarrier.arrive $0xFFFF  }
0x1d: {  	[tilespmem:s14], [sflag:$0x1] =	stream.linear.gather [hbm4b:s7+s3], $0x4000, $0x38;
	[tilespmem:$0x1C800] =	vst v63  }
0x1e: {  	_ = 	snop  }
0x1f: {  	[tilespmem:s15], [sflag:$0x2] =	stream.linear.gather [hbm4b:s8+s3], $0x4000, $0x38;
	[tilespmem:$0x1C800] =	vst v63  }
0x20: {  	_ =	swait.ge [sflag:s16], $0x4000  }
0x21: {  	[sflag:s16] =	ssyncset.done $0x0  }
0x22: {  	s22 =	simm.s32 $0x0;
	[sflag:s16] =	ssyncadd.s32 $0xFFFFC000  }
0x23: {  	[spmem:s2] =	stream.indirect.scatter.add.f32 [tilespmem:s14], [sflag:$0x3], $0x80, s22, s17, $0xb8;
	[tilespmem:$0x1C800] =	vst v63  }
0x24: {  	_ =	swait.ge [sflag:s13], $0x4000  }
0x25: {  	[sflag:s13] =	ssyncset.done $0x0  }
0x26: {  	s30 =	sadd.s32 $0xFFFFF800, s11;
	[sflag:s13] =	ssyncadd.s32 $0xFFFFC000  }
0x27: {  	[tilespmem:s14], [sflag:$0x1] =	stream.linear.gather [hbm4b:s30+s3], $0x4000, $0x38;
	[tilespmem:$0x1C800] =	vst v63  }
0x28: {  	_ =	swait.ge [sflag:s18], $0x4000  }
0x29: {  	[sflag:s18] =	ssyncset.done $0x0  }
0x2a: {  	s31 =	simm.s32 $0x80;
	[sflag:s18] =	ssyncadd.s32 $0xFFFFC000  }
0x2b: {  	[spmem:s2] =	stream.indirect.scatter.add.f32 [tilespmem:s15], [sflag:$0x3], $0x80, s31, s17, $0xb8;
	[tilespmem:$0x1C800] =	vst v63  }
0x2c: {  	_ =	swait.ge [sflag:s13], $0x4000  }
0x2d: {  	s23 =	sadd.s32 $0x1000, s11;
	[sflag:s13] =	ssyncset.done $0x0  }
0x2e: {  	s24 =	smov.u32 s11;
	s22 =	simm.s32 $0x400;
	[sflag:s13] =	ssyncadd.s32 $0xFFFFC000  }
.LBB2_2:
0x2f: {  	[tilespmem:s15], [sflag:$0x2] =	stream.linear.gather [hbm4b:s24+s3], $0x4000, $0x38;
	[tilespmem:$0x1C800] =	vst v63  }
0x30: {  	s25 =	smov.u32 s22;
	s24 =	smov.u32 s23  }
0x31: {  	p0 =	sne.s32 s22, $0x2800;
	s22 =	sadd.s32 $0x400, s22;
	_ =	swait.ge [sflag:s16], $0x4000  }
0x32: {  	[sflag:s16] =	ssyncset.done $0x0  }
0x33: {  	s25 =	sshra.s32 s25, $0x2;
	[sflag:s16] =	ssyncadd.s32 $0xFFFFC000  }
0x34: {  	[spmem:s2] =	stream.indirect.scatter.add.f32 [tilespmem:s14], [sflag:$0x3], $0x80, s25, s17, $0xb8;
	[tilespmem:$0x1C800] =	vst v63  }
0x35: {  	_ =	swait.ge [sflag:s13], $0x4000  }
0x36: {  	[sflag:s13] =	ssyncset.done $0x0  }
0x37: {  	s26 =	sadd.s32 $0xFFFFF800, s23;
	[sflag:s13] =	ssyncadd.s32 $0xFFFFC000  }
0x38: {  	[tilespmem:s14], [sflag:$0x1] =	stream.linear.gather [hbm4b:s26+s3], $0x4000, $0x38;
	[tilespmem:$0x1C800] =	vst v63  }
0x39: {  	_ =	swait.ge [sflag:s18], $0x4000  }
0x3a: {  	[sflag:s18] =	ssyncset.done $0x0  }
.Ltmp0:
0x3b: {  	s25 =	sadd.s32 $0x80, s25;
	[sflag:s18] =	ssyncadd.s32 $0xFFFFC000;
	(pc) =	sbr.rel @p0 .LBB2_2-.Ltmp0, $4  }
0x3c: {  	[spmem:s2] =	stream.indirect.scatter.add.f32 [tilespmem:s15], [sflag:$0x3], $0x80, s25, s17, $0xb8;
	[tilespmem:$0x1C800] =	vst v63  }
0x3d: {  	_ =	swait.ge [sflag:s13], $0x4000  }
0x3e: {  	[sflag:s13] =	ssyncset.done $0x0  }
0x3f: {  	s23 =	sadd.s32 $0x1000, s23;
	[sflag:s13] =	ssyncadd.s32 $0xFFFFC000  }
0x40: {  	[tilespmem:s15], [sflag:$0x2] =	stream.linear.gather [hbm4b:s24+s3], $0x4000, $0x38;
	[tilespmem:$0x1C800] =	vst v63  }
0x41: {  	_ =	swait.ge [sflag:s16], $0x4000  }
0x42: {  	[sflag:s16] =	ssyncset.done $0x0  }
0x43: {  	[sflag:s16] =	ssyncadd.s32 $0xFFFFC000  }
0x44: {  	[spmem:s2] =	stream.indirect.scatter.add.f32 [tilespmem:s14], [sflag:$0x3], $0x80, s19, s17, $0xb8;
	[tilespmem:$0x1C800] =	vst v63  }
0x45: {  	_ =	swait.ge [sflag:s13], $0x4000  }
0x46: {  	[sflag:s13] =	ssyncset.done $0x0  }
0x47: {  	[sflag:s13] =	ssyncadd.s32 $0xFFFFC000  }
0x48: {  	[tilespmem:s14], [sflag:$0x1] =	stream.linear.gather [hbm4b:s7+s3], $0x4000, $0x38;
	[tilespmem:$0x1C800] =	vst v63  }
0x49: {  	_ =	swait.ge [sflag:s18], $0x4000  }
0x4a: {  	[sflag:s18] =	ssyncset.done $0x0  }
0x4b: {  	[sflag:s18] =	ssyncadd.s32 $0xFFFFC000  }
0x4c: {  	[spmem:s2] =	stream.indirect.scatter.add.f32 [tilespmem:s15], [sflag:$0x3], $0x80, s20, s17, $0xb8;
	[tilespmem:$0x1C800] =	vst v63  }
0x4d: {  	_ =	swait.ge [sflag:s13], $0x4000  }
0x4e: {  	[sflag:s13] =	ssyncset.done $0x0  }
0x4f: {  	[sflag:s13] =	ssyncadd.s32 $0xFFFFC000  }
0x50: {  	[tilespmem:s15], [sflag:$0x2] =	stream.linear.gather [hbm4b:s8+s3], $0x4000, $0x38;
	[tilespmem:$0x1C800] =	vst v63  }
0x51: {  	_ =	swait.ge [sflag:s16], $0x4000  }
0x52: {  	[sflag:s16] =	ssyncset.done $0x0  }
0x53: {  	[sflag:s16] =	ssyncadd.s32 $0xFFFFC000  }
0x54: {  	_ =	swait.ge [sflag:s18], $0x4000  }
0x55: {  	s21 =	sadd.s32 $0x1, s21;
	[sflag:s18] =	ssyncset.done $0x0  }
0x56: {  	p0 =	sne.s32 s21, s10;
	[sflag:s18] =	ssyncadd.s32 $0xFFFFC000  }
.Ltmp1:
0x57: {  	[bflag:$0x0] =	sbarrier.arrive $0xFFFF;
	(pc) =	sbr.rel @p0 .LBB2_1-.Ltmp1, $4  }
0x58: {  	[hbm:s9], [sflag:s5] =	dma.local [spmem:s12], $0x2780  }
0x59: {  	_ =	swait.ge [sflag:s13], $0x2780  }
0x5a: {  	[sflag:s13] =	ssyncset.done $0x0  }
0x5b: {  	[sflag:s13] =	ssyncadd.s32 $0xFFFFD880  }
0x5c: {  	_ =	sfence.sel $0x180000  }
0x5d: {  	[bflag:$0x0] =	sbarrier.arrive $0xFFFF  }
0x5e: {  	p0 =	sne.s32 s0, $0x0;
	_ =	strace $0x90000050  }
0x5f: {  	s0 =	sadd.s32 @!p0 $0x100000, s1;
	[bflag:$0x2] =	sbarrier.arrive $0xFFFF  }
0x60: {  	[sflag:s0] =	ssyncadd.tile.s32 @!p0 $0x1;
	_ =	shalt  }
.Lfunc_end2:
_tile_overlayer_lowered:
.L_overlay_start_2:
0x61: {  	(tag) =	ssettag $0x2  }
0x62: {  	s0 =	rddreg [dreg:$0x0];
	s2 =	stileid.u32  }
0x63: {  	s1 =	rddreg [dreg:$0x1];
	p0 =	sne.s32 s2, $0x0  }
0x64: {  	s3 =	rddreg [dreg:$0x2];
	[bflag:$0x3] =	sbarrier.arrive $0xFFFF;
	s2 =	simm.s32 @!p0 $0x1C03  }
0x65: {  	[timem:s3], [sflag:s2] =	dma.local @!p0 [hbm:s0], s1  }
0x66: {  	s0 =	simm.s32 @!p0 $0x3  }
0x67: {  	_ =	swait.ge @!p0 [sflag:s0], s1  }
0x68: {  	s1 =	ssub.s32 @!p0 $0x0, s1;
	[sflag:s0] =	ssyncset.done @!p0 $0x0  }
0x69: {  	[sflag:s0] =	ssyncadd.s32 @!p0 s1  }
0x6a: {  	[bflag:$0x3] =	sbarrier.arrive $0xFFFF  }
0x6b: {  	_ =	shalt  }

</sc_bundles>
